<compile_context>
chip_gen: v7x
topology: tpu7x:2x2x1
jax: 0.10.2.dev20260603
libtpu: 0.0.44.dev20260713+nightly
codegen_flags: <defaults>
</compile_context>

<pallas_src>
import jax
import jax.numpy as jnp
from jax import lax
from jax.experimental import pallas as pl
from jax.experimental.pallas import tpu as pltpu
from jax.experimental.pallas import tpu_sc as plsc

_B = 128
_TAB = 1000
_ROWS = 3 * 64 * 64
_G = 8
_BLK = _ROWS // _G


_NW = 32
_WROWS = _ROWS // _NW


def _sc_copy_body(src_hbm, dst_hbm, buf):
    w = lax.axis_index("s") * 2 + lax.axis_index("c")
    base = w * _WROWS
    pltpu.sync_copy(src_hbm.at[pl.ds(base, _WROWS)], buf)
    pltpu.sync_copy(buf, dst_hbm.at[pl.ds(base, _WROWS)])


_SC_COPY_CACHE = []


def _sc_copy():
    if not _SC_COPY_CACHE:
        _SC_COPY_CACHE.append(pl.kernel(
            _sc_copy_body,
            out_type=jax.ShapeDtypeStruct((_ROWS, _B), jnp.float32),
            mesh=plsc.VectorSubcoreMesh(core_axis_name="c",
                                        subcore_axis_name="s"),
            compiler_params=pltpu.CompilerParams(needs_layout_passes=False),
            scratch_types=[pltpu.VMEM((_WROWS, _B), jnp.float32)],
        ))
    return _SC_COPY_CACHE[0]


def _tc_body(t_sref, sac_sref, som_sref, x_ref, n_ref, o_ref,
             a_scr, s_scr):
    i = pl.program_id(0)

    @pl.when(i == 0)
    def _():
        lane = lax.broadcasted_iota(jnp.int32, (1, _B), 1)
        a_row = jnp.zeros((1, _B), jnp.float32)
        s_row = jnp.zeros((1, _B), jnp.float32)
        for j in range(_B):
            tj = t_sref[j]
            a_row = jnp.where(lane == j, sac_sref[tj], a_row)
            s_row = jnp.where(lane == j, som_sref[tj], s_row)
        a_scr[0:1, :] = a_row
        s_scr[0:1, :] = s_row

    a = a_scr[0:1, :]
    s = s_scr[0:1, :]
    o_ref[...] = a * x_ref[...] + s * n_ref[...]


def _tc_fma(t, sac, som, x2, n2):
    grid_spec = pltpu.PrefetchScalarGridSpec(
        num_scalar_prefetch=3,
        grid=(_G,),
        in_specs=[
            pl.BlockSpec((_BLK, _B), lambda i, *_: (i, 0)),
            pl.BlockSpec((_BLK, _B), lambda i, *_: (i, 0)),
        ],
        out_specs=pl.BlockSpec((_BLK, _B), lambda i, *_: (i, 0)),
        scratch_shapes=[
            pltpu.VMEM((8, _B), jnp.float32),
            pltpu.VMEM((8, _B), jnp.float32),
        ],
    )
    return pl.pallas_call(
        _tc_body,
        grid_spec=grid_spec,
        out_shape=jax.ShapeDtypeStruct((_ROWS, _B), jnp.float32),
    )(t, sac, som, x2, n2)


def kernel(x0, t, noise, sqrt_alphas_cumprod, sqrt_one_minus_alphas_cumprod):
    x2 = jnp.transpose(x0, (1, 2, 3, 0)).reshape(_ROWS, _B)
    n2 = jnp.transpose(noise, (1, 2, 3, 0)).reshape(_ROWS, _B)
    xt2 = _tc_fma(t.astype(jnp.int32), sqrt_alphas_cumprod,
                  sqrt_one_minus_alphas_cumprod, x2, n2)
    no2 = _sc_copy()(n2)
    x_t = jnp.transpose(xt2.reshape(3, 64, 64, _B), (3, 0, 1, 2))
    n_out = jnp.transpose(no2.reshape(3, 64, 64, _B), (3, 0, 1, 2))
    return (x_t, n_out)

# --- scband reference (transcript-rebuilt; emitter-appended) ---
"""Pipeline reference for scband-ddpm-27994596835950 (READ-ONLY COPY).

The authoritative reference and input builder live on the scoring server;
editing this copy changes nothing except your own understanding.
"""

import jax, jax.numpy as jnp
import numpy as np

T = 1000
BETA_START = 0.0001
BETA_END = 0.02

def make_buffers():
    betas = jnp.linspace(BETA_START, BETA_END, T, dtype=jnp.float32)
    alphas = 1.0 - betas
    alphas_cumprod = jnp.cumprod(alphas, axis=0)
    sqrt_alphas_cumprod = jnp.sqrt(alphas_cumprod)
    sqrt_one_minus_alphas_cumprod = jnp.sqrt(1.0 - alphas_cumprod)
    return sqrt_alphas_cumprod, sqrt_one_minus_alphas_cumprod

def setup_inputs(seed: int = 0) -> dict:
    key = jax.random.key(seed)
    k1, k2, k3 = jax.random.split(key, 3)
    x0 = jax.random.normal(k1, (128, 3, 64, 64), dtype=jnp.float32)
    t = jax.random.randint(k2, (128,), 0, T, dtype=jnp.int64 if jax.config.jax_enable_x64 else jnp.int32)
    noise = jax.random.normal(k3, (128, 3, 64, 64), dtype=jnp.float32)
    sac, som = make_buffers()
    return {"x0": x0, "t": t, "noise": noise, "sqrt_alphas_cumprod": sac, "sqrt_one_minus_alphas_cumprod": som}

def _extract(a, t, x_shape):
    b = t.shape[0]
    out = jnp.take(a, t, axis=0).astype(jnp.float32)
    return out.reshape((b,) + (1,) * (len(x_shape) - 1))

def reference(x0, t, noise, sqrt_alphas_cumprod, sqrt_one_minus_alphas_cumprod):
    sqrt_ac = _extract(sqrt_alphas_cumprod, t, x0.shape)
    sqrt_om = _extract(sqrt_one_minus_alphas_cumprod, t, x0.shape)
    x_t = sqrt_ac * x0 + sqrt_om * noise
    return (x_t, noise)

if __name__ == "__main__":
    import jax
    _d = setup_inputs()
    print(jax.jit(kernel)(*tuple(_d.values())))

</pallas_src>

<mosaic_0001>
#map = affine_map<(d0, d1) -> (0, 0)>
module attributes {stable_mosaic.version = 14 : i64} {
  func.func @_sc_copy_body(%arg0: i32, %arg1: i32, %arg2: memref<12288x128xf32, #tpu.memory_space<hbm>>, %arg3: memref<12288x128xf32, #tpu.memory_space<hbm>>, %arg4: memref<384x128xf32, #tpu.memory_space<vmem>>) attributes {dimension_semantics = [#tpu.dimension_semantics<core_parallel>, #tpu.dimension_semantics<subcore_parallel>], iteration_bounds = array<i64: 2, 16>, scalar_prefetch = 0 : i64, scratch_operands = 1 : i64, tpu.core_type = #tpu.core_type<sc_vector_subcore>, window_params = [{transform_indices = #map}, {transform_indices = #map}]} {
    %mul3A = arith.constant 2 : i32
    %mul3A_0 = arith.muli %arg1, %mul3A : i32
    %add3A = arith.addi %mul3A_0, %arg0 : i32
    %mul3A_1 = arith.constant 384 : i32
    %mul3A_2 = arith.muli %add3A, %mul3A_1 : i32
    "tpu.region"() ({
      %run_scoped3A = tpu.sem_alloc : memref<!tpu.dma_semaphore, #tpu.memory_space<semaphore_mem>>
      %dma_start3A = arith.constant 0 : i32
      %dma_start3A_3 = tpu.memref_slice %arg2[%mul3A_2, %dma_start3A] : memref<12288x128xf32, #tpu.memory_space<hbm>> -> memref<384x128xf32, #tpu.memory_space<hbm>>
      %dma_start3A_4 = arith.constant 0 : i32
      %dma_start3A_5 = tpu.memref_slice %arg2[%mul3A_2, %dma_start3A_4] : memref<12288x128xf32, #tpu.memory_space<hbm>> -> memref<384x128xf32, #tpu.memory_space<hbm>>
      tpu.enqueue_dma source(%dma_start3A_5 : memref<384x128xf32, #tpu.memory_space<hbm>>) target(%arg4 : memref<384x128xf32, #tpu.memory_space<vmem>>) target_semaphore(%run_scoped3A : memref<!tpu.dma_semaphore, #tpu.memory_space<semaphore_mem>>)
      %dma_wait3A = arith.constant 0 : i32
      %dma_wait3A_6 = tpu.memref_slice %arg2[%mul3A_2, %dma_wait3A] : memref<12288x128xf32, #tpu.memory_space<hbm>> -> memref<384x128xf32, #tpu.memory_space<hbm>>
      %dma_wait3A_7 = arith.constant 0 : i32
      %dma_wait3A_8 = tpu.memref_slice %arg2[%mul3A_2, %dma_wait3A_7] : memref<12288x128xf32, #tpu.memory_space<hbm>> -> memref<384x128xf32, #tpu.memory_space<hbm>>
      tpu.wait_dma2 semaphore(%run_scoped3A : memref<!tpu.dma_semaphore, #tpu.memory_space<semaphore_mem>>) src(%dma_wait3A_8 : memref<384x128xf32, #tpu.memory_space<hbm>>) dst(%arg4 : memref<384x128xf32, #tpu.memory_space<vmem>>)
      tpu.yield
    }) : () -> ()
    "tpu.region"() ({
      %run_scoped3A = tpu.sem_alloc : memref<!tpu.dma_semaphore, #tpu.memory_space<semaphore_mem>>
      %dma_start3A = arith.constant 0 : i32
      %dma_start3A_3 = tpu.memref_slice %arg3[%mul3A_2, %dma_start3A] : memref<12288x128xf32, #tpu.memory_space<hbm>> -> memref<384x128xf32, #tpu.memory_space<hbm>>
      %dma_start3A_4 = arith.constant 0 : i32
      %dma_start3A_5 = tpu.memref_slice %arg3[%mul3A_2, %dma_start3A_4] : memref<12288x128xf32, #tpu.memory_space<hbm>> -> memref<384x128xf32, #tpu.memory_space<hbm>>
      tpu.enqueue_dma source(%arg4 : memref<384x128xf32, #tpu.memory_space<vmem>>) target(%dma_start3A_5 : memref<384x128xf32, #tpu.memory_space<hbm>>) target_semaphore(%run_scoped3A : memref<!tpu.dma_semaphore, #tpu.memory_space<semaphore_mem>>)
      %dma_wait3A = arith.constant 0 : i32
      %dma_wait3A_6 = tpu.memref_slice %arg3[%mul3A_2, %dma_wait3A] : memref<12288x128xf32, #tpu.memory_space<hbm>> -> memref<384x128xf32, #tpu.memory_space<hbm>>
      %dma_wait3A_7 = arith.constant 0 : i32
      %dma_wait3A_8 = tpu.memref_slice %arg3[%mul3A_2, %dma_wait3A_7] : memref<12288x128xf32, #tpu.memory_space<hbm>> -> memref<384x128xf32, #tpu.memory_space<hbm>>
      tpu.wait_dma2 semaphore(%run_scoped3A : memref<!tpu.dma_semaphore, #tpu.memory_space<semaphore_mem>>) src(%arg4 : memref<384x128xf32, #tpu.memory_space<vmem>>) dst(%dma_wait3A_8 : memref<384x128xf32, #tpu.memory_space<hbm>>)
      tpu.yield
    }) : () -> ()
    return
  }
}

module attributes {stable_mosaic.version = 14 : i64} {
  func.func @_tc_body(%arg0: i32, %arg1: memref<128xi32, #tpu.memory_space<smem>>, %arg2: memref<1000xf32, #tpu.memory_space<smem>>, %arg3: memref<1000xf32, #tpu.memory_space<smem>>, %arg4: memref<1536x128xf32, #tpu.memory_space<vmem>>, %arg5: memref<1536x128xf32, #tpu.memory_space<vmem>>, %arg6: memref<1536x128xf32, #tpu.memory_space<vmem>>, %arg7: memref<8x128xf32, #tpu.memory_space<vmem>>, %arg8: memref<8x128xf32, #tpu.memory_space<vmem>>) attributes {dimension_semantics = [#tpu.dimension_semantics<arbitrary>], iteration_bounds = array<i64: 8>, scalar_prefetch = 3 : i64, scratch_operands = 2 : i64, tpu.core_type = #tpu.core_type<tc>, window_params = [{transform_indices = @transform_0, window_bounds = array<i64: 1536, 128>}, {transform_indices = @transform_1, window_bounds = array<i64: 1536, 128>}, {transform_indices = @transform_2, window_bounds = array<i64: 1536, 128>}]} {
    %eq3A = arith.constant 0 : i32
    %eq3A_0 = arith.cmpi eq, %arg0, %eq3A : i32
    %convert_element_type3A = arith.extui %eq3A_0 : i1 to i32
    %cond3A = arith.constant 0 : i32
    %cond3A_1 = arith.cmpi ne, %convert_element_type3A, %cond3A : i32
    scf.if %cond3A_1 {
      %iota3A = tpu.iota {dimensions = array<i32: 1>} : vector<1x128xi32>
      %broadcast_in_dim3A = arith.constant 0.000000e+00 : f32
      %broadcast_in_dim3A_18 = vector.broadcast %broadcast_in_dim3A : f32 to vector<1x128xf32>
      %broadcast_in_dim3A_19 = arith.constant 0.000000e+00 : f32
      %broadcast_in_dim3A_20 = vector.broadcast %broadcast_in_dim3A_19 : f32 to vector<1x128xf32>
      %get3A_21 = arith.constant 0 : index
      %get3A_22 = memref.load %arg1[%get3A_21] : memref<128xi32, #tpu.memory_space<smem>>
      %eq3A_23 = arith.constant 0 : i32
      %eq3A_24 = vector.broadcast %eq3A_23 : i32 to vector<1x128xi32>
      %eq3A_25 = arith.cmpi eq, %iota3A, %eq3A_24 : vector<1x128xi32>
      %get3A_26 = arith.index_cast %get3A_22 : i32 to index
      %get3A_27 = memref.load %arg2[%get3A_26] : memref<1000xf32, #tpu.memory_space<smem>>
      %broadcast_in_dim3A_28 = vector.broadcast %get3A_27 : f32 to vector<1x128xf32>
      %select_n3A = arith.select %eq3A_25, %broadcast_in_dim3A_28, %broadcast_in_dim3A_18 : vector<1x128xi1>, vector<1x128xf32>
      %eq3A_29 = arith.constant 0 : i32
      %eq3A_30 = vector.broadcast %eq3A_29 : i32 to vector<1x128xi32>
      %eq3A_31 = arith.cmpi eq, %iota3A, %eq3A_30 : vector<1x128xi32>
      %get3A_32 = arith.index_cast %get3A_22 : i32 to index
      %get3A_33 = memref.load %arg3[%get3A_32] : memref<1000xf32, #tpu.memory_space<smem>>
      %broadcast_in_dim3A_34 = vector.broadcast %get3A_33 : f32 to vector<1x128xf32>
      %select_n3A_35 = arith.select %eq3A_31, %broadcast_in_dim3A_34, %broadcast_in_dim3A_20 : vector<1x128xi1>, vector<1x128xf32>
      %get3A_36 = arith.constant 1 : index
      %get3A_37 = memref.load %arg1[%get3A_36] : memref<128xi32, #tpu.memory_space<smem>>
      %eq3A_38 = arith.constant 1 : i32
      %eq3A_39 = vector.broadcast %eq3A_38 : i32 to vector<1x128xi32>
      %eq3A_40 = arith.cmpi eq, %iota3A, %eq3A_39 : vector<1x128xi32>
      %get3A_41 = arith.index_cast %get3A_37 : i32 to index
      %get3A_42 = memref.load %arg2[%get3A_41] : memref<1000xf32, #tpu.memory_space<smem>>
      %broadcast_in_dim3A_43 = vector.broadcast %get3A_42 : f32 to vector<1x128xf32>
      %select_n3A_44 = arith.select %eq3A_40, %broadcast_in_dim3A_43, %select_n3A : vector<1x128xi1>, vector<1x128xf32>
      %eq3A_45 = arith.constant 1 : i32
      %eq3A_46 = vector.broadcast %eq3A_45 : i32 to vector<1x128xi32>
      %eq3A_47 = arith.cmpi eq, %iota3A, %eq3A_46 : vector<1x128xi32>
      %get3A_48 = arith.index_cast %get3A_37 : i32 to index
      %get3A_49 = memref.load %arg3[%get3A_48] : memref<1000xf32, #tpu.memory_space<smem>>
      %broadcast_in_dim3A_50 = vector.broadcast %get3A_49 : f32 to vector<1x128xf32>
      %select_n3A_51 = arith.select %eq3A_47, %broadcast_in_dim3A_50, %select_n3A_35 : vector<1x128xi1>, vector<1x128xf32>
      %get3A_52 = arith.constant 2 : index
      %get3A_53 = memref.load %arg1[%get3A_52] : memref<128xi32, #tpu.memory_space<smem>>
      %eq3A_54 = arith.constant 2 : i32
      %eq3A_55 = vector.broadcast %eq3A_54 : i32 to vector<1x128xi32>
      %eq3A_56 = arith.cmpi eq, %iota3A, %eq3A_55 : vector<1x128xi32>
      %get3A_57 = arith.index_cast %get3A_53 : i32 to index
      %get3A_58 = memref.load %arg2[%get3A_57] : memref<1000xf32, #tpu.memory_space<smem>>
      %broadcast_in_dim3A_59 = vector.broadcast %get3A_58 : f32 to vector<1x128xf32>
      %select_n3A_60 = arith.select %eq3A_56, %broadcast_in_dim3A_59, %select_n3A_44 : vector<1x128xi1>, vector<1x128xf32>
      %eq3A_61 = arith.constant 2 : i32
      %eq3A_62 = vector.broadcast %eq3A_61 : i32 to vector<1x128xi32>
      %eq3A_63 = arith.cmpi eq, %iota3A, %eq3A_62 : vector<1x128xi32>
      %get3A_64 = arith.index_cast %get3A_53 : i32 to index
      %get3A_65 = memref.load %arg3[%get3A_64] : memref<1000xf32, #tpu.memory_space<smem>>
      %broadcast_in_dim3A_66 = vector.broadcast %get3A_65 : f32 to vector<1x128xf32>
      %select_n3A_67 = arith.select %eq3A_63, %broadcast_in_dim3A_66, %select_n3A_51 : vector<1x128xi1>, vector<1x128xf32>
      %get3A_68 = arith.constant 3 : index
      %get3A_69 = memref.load %arg1[%get3A_68] : memref<128xi32, #tpu.memory_space<smem>>
      %eq3A_70 = arith.constant 3 : i32
      %eq3A_71 = vector.broadcast %eq3A_70 : i32 to vector<1x128xi32>
      %eq3A_72 = arith.cmpi eq, %iota3A, %eq3A_71 : vector<1x128xi32>
      %get3A_73 = arith.index_cast %get3A_69 : i32 to index
      %get3A_74 = memref.load %arg2[%get3A_73] : memref<1000xf32, #tpu.memory_space<smem>>
      %broadcast_in_dim3A_75 = vector.broadcast %get3A_74 : f32 to vector<1x128xf32>
      %select_n3A_76 = arith.select %eq3A_72, %broadcast_in_dim3A_75, %select_n3A_60 : vector<1x128xi1>, vector<1x128xf32>
      %eq3A_77 = arith.constant 3 : i32
      %eq3A_78 = vector.broadcast %eq3A_77 : i32 to vector<1x128xi32>
      %eq3A_79 = arith.cmpi eq, %iota3A, %eq3A_78 : vector<1x128xi32>
      %get3A_80 = arith.index_cast %get3A_69 : i32 to index
      %get3A_81 = memref.load %arg3[%get3A_80] : memref<1000xf32, #tpu.memory_space<smem>>
      %broadcast_in_dim3A_82 = vector.broadcast %get3A_81 : f32 to vector<1x128xf32>
      %select_n3A_83 = arith.select %eq3A_79, %broadcast_in_dim3A_82, %select_n3A_67 : vector<1x128xi1>, vector<1x128xf32>
      %get3A_84 = arith.constant 4 : index
      %get3A_85 = memref.load %arg1[%get3A_84] : memref<128xi32, #tpu.memory_space<smem>>
      %eq3A_86 = arith.constant 4 : i32
      %eq3A_87 = vector.broadcast %eq3A_86 : i32 to vector<1x128xi32>
      %eq3A_88 = arith.cmpi eq, %iota3A, %eq3A_87 : vector<1x128xi32>
      %get3A_89 = arith.index_cast %get3A_85 : i32 to index
      %get3A_90 = memref.load %arg2[%get3A_89] : memref<1000xf32, #tpu.memory_space<smem>>
      %broadcast_in_dim3A_91 = vector.broadcast %get3A_90 : f32 to vector<1x128xf32>
      %select_n3A_92 = arith.select %eq3A_88, %broadcast_in_dim3A_91, %select_n3A_76 : vector<1x128xi1>, vector<1x128xf32>
      %eq3A_93 = arith.constant 4 : i32
      %eq3A_94 = vector.broadcast %eq3A_93 : i32 to vector<1x128xi32>
      %eq3A_95 = arith.cmpi eq, %iota3A, %eq3A_94 : vector<1x128xi32>
      %get3A_96 = arith.index_cast %get3A_85 : i32 to index
      %get3A_97 = memref.load %arg3[%get3A_96] : memref<1000xf32, #tpu.memory_space<smem>>
      %broadcast_in_dim3A_98 = vector.broadcast %get3A_97 : f32 to vector<1x128xf32>
      %select_n3A_99 = arith.select %eq3A_95, %broadcast_in_dim3A_98, %select_n3A_83 : vector<1x128xi1>, vector<1x128xf32>
      %get3A_100 = arith.constant 5 : index
      %get3A_101 = memref.load %arg1[%get3A_100] : memref<128xi32, #tpu.memory_space<smem>>
      %eq3A_102 = arith.constant 5 : i32
      %eq3A_103 = vector.broadcast %eq3A_102 : i32 to vector<1x128xi32>
      %eq3A_104 = arith.cmpi eq, %iota3A, %eq3A_103 : vector<1x128xi32>
      %get3A_105 = arith.index_cast %get3A_101 : i32 to index
      %get3A_106 = memref.load %arg2[%get3A_105] : memref<1000xf32, #tpu.memory_space<smem>>
      %broadcast_in_dim3A_107 = vector.broadcast %get3A_106 : f32 to vector<1x128xf32>
      %select_n3A_108 = arith.select %eq3A_104, %broadcast_in_dim3A_107, %select_n3A_92 : vector<1x128xi1>, vector<1x128xf32>
      %eq3A_109 = arith.constant 5 : i32
      %eq3A_110 = vector.broadcast %eq3A_109 : i32 to vector<1x128xi32>
      %eq3A_111 = arith.cmpi eq, %iota3A, %eq3A_110 : vector<1x128xi32>
      %get3A_112 = arith.index_cast %get3A_101 : i32 to index
      %get3A_113 = memref.load %arg3[%get3A_112] : memref<1000xf32, #tpu.memory_space<smem>>
      %broadcast_in_dim3A_114 = vector.broadcast %get3A_113 : f32 to vector<1x128xf32>
      %select_n3A_115 = arith.select %eq3A_111, %broadcast_in_dim3A_114, %select_n3A_99 : vector<1x128xi1>, vector<1x128xf32>
      %get3A_116 = arith.constant 6 : index
      %get3A_117 = memref.load %arg1[%get3A_116] : memref<128xi32, #tpu.memory_space<smem>>
      %eq3A_118 = arith.constant 6 : i32
      %eq3A_119 = vector.broadcast %eq3A_118 : i32 to vector<1x128xi32>
      %eq3A_120 = arith.cmpi eq, %iota3A, %eq3A_119 : vector<1x128xi32>
      %get3A_121 = arith.index_cast %get3A_117 : i32 to index
      %get3A_122 = memref.load %arg2[%get3A_121] : memref<1000xf32, #tpu.memory_space<smem>>
      %broadcast_in_dim3A_123 = vector.broadcast %get3A_122 : f32 to vector<1x128xf32>
      %select_n3A_124 = arith.select %eq3A_120, %broadcast_in_dim3A_123, %select_n3A_108 : vector<1x128xi1>, vector<1x128xf32>
      %eq3A_125 = arith.constant 6 : i32
      %eq3A_126 = vector.broadcast %eq3A_125 : i32 to vector<1x128xi32>
      %eq3A_127 = arith.cmpi eq, %iota3A, %eq3A_126 : vector<1x128xi32>
      %get3A_128 = arith.index_cast %get3A_117 : i32 to index
      %get3A_129 = memref.load %arg3[%get3A_128] : memref<1000xf32, #tpu.memory_space<smem>>
      %broadcast_in_dim3A_130 = vector.broadcast %get3A_129 : f32 to vector<1x128xf32>
      %select_n3A_131 = arith.select %eq3A_127, %broadcast_in_dim3A_130, %select_n3A_115 : vector<1x128xi1>, vector<1x128xf32>
      %get3A_132 = arith.constant 7 : index
      %get3A_133 = memref.load %arg1[%get3A_132] : memref<128xi32, #tpu.memory_space<smem>>
      %eq3A_134 = arith.constant 7 : i32
      %eq3A_135 = vector.broadcast %eq3A_134 : i32 to vector<1x128xi32>
      %eq3A_136 = arith.cmpi eq, %iota3A, %eq3A_135 : vector<1x128xi32>
      %get3A_137 = arith.index_cast %get3A_133 : i32 to index
      %get3A_138 = memref.load %arg2[%get3A_137] : memref<1000xf32, #tpu.memory_space<smem>>
      %broadcast_in_dim3A_139 = vector.broadcast %get3A_138 : f32 to vector<1x128xf32>
      %select_n3A_140 = arith.select %eq3A_136, %broadcast_in_dim3A_139, %select_n3A_124 : vector<1x128xi1>, vector<1x128xf32>
      %eq3A_141 = arith.constant 7 : i32
      %eq3A_142 = vector.broadcast %eq3A_141 : i32 to vector<1x128xi32>
      %eq3A_143 = arith.cmpi eq, %iota3A, %eq3A_142 : vector<1x128xi32>
      %get3A_144 = arith.index_cast %get3A_133 : i32 to index
      %get3A_145 = memref.load %arg3[%get3A_144] : memref<1000xf32, #tpu.memory_space<smem>>
      %broadcast_in_dim3A_146 = vector.broadcast %get3A_145 : f32 to vector<1x128xf32>
      %select_n3A_147 = arith.select %eq3A_143, %broadcast_in_dim3A_146, %select_n3A_131 : vector<1x128xi1>, vector<1x128xf32>
      %get3A_148 = arith.constant 8 : index
      %get3A_149 = memref.load %arg1[%get3A_148] : memref<128xi32, #tpu.memory_space<smem>>
      %eq3A_150 = arith.constant 8 : i32
      %eq3A_151 = vector.broadcast %eq3A_150 : i32 to vector<1x128xi32>
      %eq3A_152 = arith.cmpi eq, %iota3A, %eq3A_151 : vector<1x128xi32>
      %get3A_153 = arith.index_cast %get3A_149 : i32 to index
      %get3A_154 = memref.load %arg2[%get3A_153] : memref<1000xf32, #tpu.memory_space<smem>>
      %broadcast_in_dim3A_155 = vector.broadcast %get3A_154 : f32 to vector<1x128xf32>
      %select_n3A_156 = arith.select %eq3A_152, %broadcast_in_dim3A_155, %select_n3A_140 : vector<1x128xi1>, vector<1x128xf32>
      %eq3A_157 = arith.constant 8 : i32
      %eq3A_158 = vector.broadcast %eq3A_157 : i32 to vector<1x128xi32>
      %eq3A_159 = arith.cmpi eq, %iota3A, %eq3A_158 : vector<1x128xi32>
      %get3A_160 = arith.index_cast %get3A_149 : i32 to index
      %get3A_161 = memref.load %arg3[%get3A_160] : memref<1000xf32, #tpu.memory_space<smem>>
      %broadcast_in_dim3A_162 = vector.broadcast %get3A_161 : f32 to vector<1x128xf32>
      %select_n3A_163 = arith.select %eq3A_159, %broadcast_in_dim3A_162, %select_n3A_147 : vector<1x128xi1>, vector<1x128xf32>
      %get3A_164 = arith.constant 9 : index
      %get3A_165 = memref.load %arg1[%get3A_164] : memref<128xi32, #tpu.memory_space<smem>>
      %eq3A_166 = arith.constant 9 : i32
      %eq3A_167 = vector.broadcast %eq3A_166 : i32 to vector<1x128xi32>
      %eq3A_168 = arith.cmpi eq, %iota3A, %eq3A_167 : vector<1x128xi32>
      %get3A_169 = arith.index_cast %get3A_165 : i32 to index
      %get3A_170 = memref.load %arg2[%get3A_169] : memref<1000xf32, #tpu.memory_space<smem>>
      %broadcast_in_dim3A_171 = vector.broadcast %get3A_170 : f32 to vector<1x128xf32>
      %select_n3A_172 = arith.select %eq3A_168, %broadcast_in_dim3A_171, %select_n3A_156 : vector<1x128xi1>, vector<1x128xf32>
      %eq3A_173 = arith.constant 9 : i32
      %eq3A_174 = vector.broadcast %eq3A_173 : i32 to vector<1x128xi32>
      %eq3A_175 = arith.cmpi eq, %iota3A, %eq3A_174 : vector<1x128xi32>
      %get3A_176 = arith.index_cast %get3A_165 : i32 to index
      %get3A_177 = memref.load %arg3[%get3A_176] : memref<1000xf32, #tpu.memory_space<smem>>
      %broadcast_in_dim3A_178 = vector.broadcast %get3A_177 : f32 to vector<1x128xf32>
      %select_n3A_179 = arith.select %eq3A_175, %broadcast_in_dim3A_178, %select_n3A_163 : vector<1x128xi1>, vector<1x128xf32>
      %get3A_180 = arith.constant 10 : index
      %get3A_181 = memref.load %arg1[%get3A_180] : memref<128xi32, #tpu.memory_space<smem>>
      %eq3A_182 = arith.constant 10 : i32
      %eq3A_183 = vector.broadcast %eq3A_182 : i32 to vector<1x128xi32>
      %eq3A_184 = arith.cmpi eq, %iota3A, %eq3A_183 : vector<1x128xi32>
      %get3A_185 = arith.index_cast %get3A_181 : i32 to index
      %get3A_186 = memref.load %arg2[%get3A_185] : memref<1000xf32, #tpu.memory_space<smem>>
      %broadcast_in_dim3A_187 = vector.broadcast %get3A_186 : f32 to vector<1x128xf32>
      %select_n3A_188 = arith.select %eq3A_184, %broadcast_in_dim3A_187, %select_n3A_172 : vector<1x128xi1>, vector<1x128xf32>
      %eq3A_189 = arith.constant 10 : i32
      %eq3A_190 = vector.broadcast %eq3A_189 : i32 to vector<1x128xi32>
      %eq3A_191 = arith.cmpi eq, %iota3A, %eq3A_190 : vector<1x128xi32>
      %get3A_192 = arith.index_cast %get3A_181 : i32 to index
      %get3A_193 = memref.load %arg3[%get3A_192] : memref<1000xf32, #tpu.memory_space<smem>>
      %broadcast_in_dim3A_194 = vector.broadcast %get3A_193 : f32 to vector<1x128xf32>
      %select_n3A_195 = arith.select %eq3A_191, %broadcast_in_dim3A_194, %select_n3A_179 : vector<1x128xi1>, vector<1x128xf32>
      %get3A_196 = arith.constant 11 : index
      %get3A_197 = memref.load %arg1[%get3A_196] : memref<128xi32, #tpu.memory_space<smem>>
      %eq3A_198 = arith.constant 11 : i32
      %eq3A_199 = vector.broadcast %eq3A_198 : i32 to vector<1x128xi32>
      %eq3A_200 = arith.cmpi eq, %iota3A, %eq3A_199 : vector<1x128xi32>
      %get3A_201 = arith.index_cast %get3A_197 : i32 to index
      %get3A_202 = memref.load %arg2[%get3A_201] : memref<1000xf32, #tpu.memory_space<smem>>
      %broadcast_in_dim3A_203 = vector.broadcast %get3A_202 : f32 to vector<1x128xf32>
      %select_n3A_204 = arith.select %eq3A_200, %broadcast_in_dim3A_203, %select_n3A_188 : vector<1x128xi1>, vector<1x128xf32>
      %eq3A_205 = arith.constant 11 : i32
      %eq3A_206 = vector.broadcast %eq3A_205 : i32 to vector<1x128xi32>
      %eq3A_207 = arith.cmpi eq, %iota3A, %eq3A_206 : vector<1x128xi32>
      %get3A_208 = arith.index_cast %get3A_197 : i32 to index
      %get3A_209 = memref.load %arg3[%get3A_208] : memref<1000xf32, #tpu.memory_space<smem>>
      %broadcast_in_dim3A_210 = vector.broadcast %get3A_209 : f32 to vector<1x128xf32>
      %select_n3A_211 = arith.select %eq3A_207, %broadcast_in_dim3A_210, %select_n3A_195 : vector<1x128xi1>, vector<1x128xf32>
      %get3A_212 = arith.constant 12 : index
      %get3A_213 = memref.load %arg1[%get3A_212] : memref<128xi32, #tpu.memory_space<smem>>
      %eq3A_214 = arith.constant 12 : i32
      %eq3A_215 = vector.broadcast %eq3A_214 : i32 to vector<1x128xi32>
      %eq3A_216 = arith.cmpi eq, %iota3A, %eq3A_215 : vector<1x128xi32>
      %get3A_217 = arith.index_cast %get3A_213 : i32 to index
      %get3A_218 = memref.load %arg2[%get3A_217] : memref<1000xf32, #tpu.memory_space<smem>>
      %broadcast_in_dim3A_219 = vector.broadcast %get3A_218 : f32 to vector<1x128xf32>
      %select_n3A_220 = arith.select %eq3A_216, %broadcast_in_dim3A_219, %select_n3A_204 : vector<1x128xi1>, vector<1x128xf32>
      %eq3A_221 = arith.constant 12 : i32
      %eq3A_222 = vector.broadcast %eq3A_221 : i32 to vector<1x128xi32>
      %eq3A_223 = arith.cmpi eq, %iota3A, %eq3A_222 : vector<1x128xi32>
      %get3A_224 = arith.index_cast %get3A_213 : i32 to index
      %get3A_225 = memref.load %arg3[%get3A_224] : memref<1000xf32, #tpu.memory_space<smem>>
      %broadcast_in_dim3A_226 = vector.broadcast %get3A_225 : f32 to vector<1x128xf32>
      %select_n3A_227 = arith.select %eq3A_223, %broadcast_in_dim3A_226, %select_n3A_211 : vector<1x128xi1>, vector<1x128xf32>
      %get3A_228 = arith.constant 13 : index
      %get3A_229 = memref.load %arg1[%get3A_228] : memref<128xi32, #tpu.memory_space<smem>>
      %eq3A_230 = arith.constant 13 : i32
      %eq3A_231 = vector.broadcast %eq3A_230 : i32 to vector<1x128xi32>
      %eq3A_232 = arith.cmpi eq, %iota3A, %eq3A_231 : vector<1x128xi32>
      %get3A_233 = arith.index_cast %get3A_229 : i32 to index
      %get3A_234 = memref.load %arg2[%get3A_233] : memref<1000xf32, #tpu.memory_space<smem>>
      %broadcast_in_dim3A_235 = vector.broadcast %get3A_234 : f32 to vector<1x128xf32>
      %select_n3A_236 = arith.select %eq3A_232, %broadcast_in_dim3A_235, %select_n3A_220 : vector<1x128xi1>, vector<1x128xf32>
      %eq3A_237 = arith.constant 13 : i32
      %eq3A_238 = vector.broadcast %eq3A_237 : i32 to vector<1x128xi32>
      %eq3A_239 = arith.cmpi eq, %iota3A, %eq3A_238 : vector<1x128xi32>
      %get3A_240 = arith.index_cast %get3A_229 : i32 to index
      %get3A_241 = memref.load %arg3[%get3A_240] : memref<1000xf32, #tpu.memory_space<smem>>
      %broadcast_in_dim3A_242 = vector.broadcast %get3A_241 : f32 to vector<1x128xf32>
      %select_n3A_243 = arith.select %eq3A_239, %broadcast_in_dim3A_242, %select_n3A_227 : vector<1x128xi1>, vector<1x128xf32>
      %get3A_244 = arith.constant 14 : index
      %get3A_245 = memref.load %arg1[%get3A_244] : memref<128xi32, #tpu.memory_space<smem>>
      %eq3A_246 = arith.constant 14 : i32
      %eq3A_247 = vector.broadcast %eq3A_246 : i32 to vector<1x128xi32>
      %eq3A_248 = arith.cmpi eq, %iota3A, %eq3A_247 : vector<1x128xi32>
      %get3A_249 = arith.index_cast %get3A_245 : i32 to index
      %get3A_250 = memref.load %arg2[%get3A_249] : memref<1000xf32, #tpu.memory_space<smem>>
      %broadcast_in_dim3A_251 = vector.broadcast %get3A_250 : f32 to vector<1x128xf32>
      %select_n3A_252 = arith.select %eq3A_248, %broadcast_in_dim3A_251, %select_n3A_236 : vector<1x128xi1>, vector<1x128xf32>
      %eq3A_253 = arith.constant 14 : i32
      %eq3A_254 = vector.broadcast %eq3A_253 : i32 to vector<1x128xi32>
      %eq3A_255 = arith.cmpi eq, %iota3A, %eq3A_254 : vector<1x128xi32>
      %get3A_256 = arith.index_cast %get3A_245 : i32 to index
      %get3A_257 = memref.load %arg3[%get3A_256] : memref<1000xf32, #tpu.memory_space<smem>>
      %broadcast_in_dim3A_258 = vector.broadcast %get3A_257 : f32 to vector<1x128xf32>
      %select_n3A_259 = arith.select %eq3A_255, %broadcast_in_dim3A_258, %select_n3A_243 : vector<1x128xi1>, vector<1x128xf32>
      %get3A_260 = arith.constant 15 : index
      %get3A_261 = memref.load %arg1[%get3A_260] : memref<128xi32, #tpu.memory_space<smem>>
      %eq3A_262 = arith.constant 15 : i32
      %eq3A_263 = vector.broadcast %eq3A_262 : i32 to vector<1x128xi32>
      %eq3A_264 = arith.cmpi eq, %iota3A, %eq3A_263 : vector<1x128xi32>
      %get3A_265 = arith.index_cast %get3A_261 : i32 to index
      %get3A_266 = memref.load %arg2[%get3A_265] : memref<1000xf32, #tpu.memory_space<smem>>
      %broadcast_in_dim3A_267 = vector.broadcast %get3A_266 : f32 to vector<1x128xf32>
      %select_n3A_268 = arith.select %eq3A_264, %broadcast_in_dim3A_267, %select_n3A_252 : vector<1x128xi1>, vector<1x128xf32>
      %eq3A_269 = arith.constant 15 : i32
      %eq3A_270 = vector.broadcast %eq3A_269 : i32 to vector<1x128xi32>
      %eq3A_271 = arith.cmpi eq, %iota3A, %eq3A_270 : vector<1x128xi32>
      %get3A_272 = arith.index_cast %get3A_261 : i32 to index
      %get3A_273 = memref.load %arg3[%get3A_272] : memref<1000xf32, #tpu.memory_space<smem>>
      %broadcast_in_dim3A_274 = vector.broadcast %get3A_273 : f32 to vector<1x128xf32>
      %select_n3A_275 = arith.select %eq3A_271, %broadcast_in_dim3A_274, %select_n3A_259 : vector<1x128xi1>, vector<1x128xf32>
      %get3A_276 = arith.constant 16 : index
      %get3A_277 = memref.load %arg1[%get3A_276] : memref<128xi32, #tpu.memory_space<smem>>
      %eq3A_278 = arith.constant 16 : i32
      %eq3A_279 = vector.broadcast %eq3A_278 : i32 to vector<1x128xi32>
      %eq3A_280 = arith.cmpi eq, %iota3A, %eq3A_279 : vector<1x128xi32>
      %get3A_281 = arith.index_cast %get3A_277 : i32 to index
      %get3A_282 = memref.load %arg2[%get3A_281] : memref<1000xf32, #tpu.memory_space<smem>>
      %broadcast_in_dim3A_283 = vector.broadcast %get3A_282 : f32 to vector<1x128xf32>
      %select_n3A_284 = arith.select %eq3A_280, %broadcast_in_dim3A_283, %select_n3A_268 : vector<1x128xi1>, vector<1x128xf32>
      %eq3A_285 = arith.constant 16 : i32
      %eq3A_286 = vector.broadcast %eq3A_285 : i32 to vector<1x128xi32>
      %eq3A_287 = arith.cmpi eq, %iota3A, %eq3A_286 : vector<1x128xi32>
      %get3A_288 = arith.index_cast %get3A_277 : i32 to index
      %get3A_289 = memref.load %arg3[%get3A_288] : memref<1000xf32, #tpu.memory_space<smem>>
      %broadcast_in_dim3A_290 = vector.broadcast %get3A_289 : f32 to vector<1x128xf32>
      %select_n3A_291 = arith.select %eq3A_287, %broadcast_in_dim3A_290, %select_n3A_275 : vector<1x128xi1>, vector<1x128xf32>
      %get3A_292 = arith.constant 17 : index
      %get3A_293 = memref.load %arg1[%get3A_292] : memref<128xi32, #tpu.memory_space<smem>>
      %eq3A_294 = arith.constant 17 : i32
      %eq3A_295 = vector.broadcast %eq3A_294 : i32 to vector<1x128xi32>
      %eq3A_296 = arith.cmpi eq, %iota3A, %eq3A_295 : vector<1x128xi32>
      %get3A_297 = arith.index_cast %get3A_293 : i32 to index
      %get3A_298 = memref.load %arg2[%get3A_297] : memref<1000xf32, #tpu.memory_space<smem>>
      %broadcast_in_dim3A_299 = vector.broadcast %get3A_298 : f32 to vector<1x128xf32>
      %select_n3A_300 = arith.select %eq3A_296, %broadcast_in_dim3A_299, %select_n3A_284 : vector<1x128xi1>, vector<1x128xf32>
      %eq3A_301 = arith.constant 17 : i32
      %eq3A_302 = vector.broadcast %eq3A_301 : i32 to vector<1x128xi32>
      %eq3A_303 = arith.cmpi eq, %iota3A, %eq3A_302 : vector<1x128xi32>
      %get3A_304 = arith.index_cast %get3A_293 : i32 to index
      %get3A_305 = memref.load %arg3[%get3A_304] : memref<1000xf32, #tpu.memory_space<smem>>
      %broadcast_in_dim3A_306 = vector.broadcast %get3A_305 : f32 to vector<1x128xf32>
      %select_n3A_307 = arith.select %eq3A_303, %broadcast_in_dim3A_306, %select_n3A_291 : vector<1x128xi1>, vector<1x128xf32>
      %get3A_308 = arith.constant 18 : index
      %get3A_309 = memref.load %arg1[%get3A_308] : memref<128xi32, #tpu.memory_space<smem>>
      %eq3A_310 = arith.constant 18 : i32
      %eq3A_311 = vector.broadcast %eq3A_310 : i32 to vector<1x128xi32>
      %eq3A_312 = arith.cmpi eq, %iota3A, %eq3A_311 : vector<1x128xi32>
      %get3A_313 = arith.index_cast %get3A_309 : i32 to index
      %get3A_314 = memref.load %arg2[%get3A_313] : memref<1000xf32, #tpu.memory_space<smem>>
      %broadcast_in_dim3A_315 = vector.broadcast %get3A_314 : f32 to vector<1x128xf32>
      %select_n3A_316 = arith.select %eq3A_312, %broadcast_in_dim3A_315, %select_n3A_300 : vector<1x128xi1>, vector<1x128xf32>
      %eq3A_317 = arith.constant 18 : i32
      %eq3A_318 = vector.broadcast %eq3A_317 : i32 to vector<1x128xi32>
      %eq3A_319 = arith.cmpi eq, %iota3A, %eq3A_318 : vector<1x128xi32>
      %get3A_320 = arith.index_cast %get3A_309 : i32 to index
      %get3A_321 = memref.load %arg3[%get3A_320] : memref<1000xf32, #tpu.memory_space<smem>>
      %broadcast_in_dim3A_322 = vector.broadcast %get3A_321 : f32 to vector<1x128xf32>
      %select_n3A_323 = arith.select %eq3A_319, %broadcast_in_dim3A_322, %select_n3A_307 : vector<1x128xi1>, vector<1x128xf32>
      %get3A_324 = arith.constant 19 : index
      %get3A_325 = memref.load %arg1[%get3A_324] : memref<128xi32, #tpu.memory_space<smem>>
      %eq3A_326 = arith.constant 19 : i32
      %eq3A_327 = vector.broadcast %eq3A_326 : i32 to vector<1x128xi32>
      %eq3A_328 = arith.cmpi eq, %iota3A, %eq3A_327 : vector<1x128xi32>
      %get3A_329 = arith.index_cast %get3A_325 : i32 to index
      %get3A_330 = memref.load %arg2[%get3A_329] : memref<1000xf32, #tpu.memory_space<smem>>
      %broadcast_in_dim3A_331 = vector.broadcast %get3A_330 : f32 to vector<1x128xf32>
      %select_n3A_332 = arith.select %eq3A_328, %broadcast_in_dim3A_331, %select_n3A_316 : vector<1x128xi1>, vector<1x128xf32>
      %eq3A_333 = arith.constant 19 : i32
      %eq3A_334 = vector.broadcast %eq3A_333 : i32 to vector<1x128xi32>
      %eq3A_335 = arith.cmpi eq, %iota3A, %eq3A_334 : vector<1x128xi32>
      %get3A_336 = arith.index_cast %get3A_325 : i32 to index
      %get3A_337 = memref.load %arg3[%get3A_336] : memref<1000xf32, #tpu.memory_space<smem>>
      %broadcast_in_dim3A_338 = vector.broadcast %get3A_337 : f32 to vector<1x128xf32>
      %select_n3A_339 = arith.select %eq3A_335, %broadcast_in_dim3A_338, %select_n3A_323 : vector<1x128xi1>, vector<1x128xf32>
      %get3A_340 = arith.constant 20 : index
      %get3A_341 = memref.load %arg1[%get3A_340] : memref<128xi32, #tpu.memory_space<smem>>
      %eq3A_342 = arith.constant 20 : i32
      %eq3A_343 = vector.broadcast %eq3A_342 : i32 to vector<1x128xi32>
      %eq3A_344 = arith.cmpi eq, %iota3A, %eq3A_343 : vector<1x128xi32>
      %get3A_345 = arith.index_cast %get3A_341 : i32 to index
      %get3A_346 = memref.load %arg2[%get3A_345] : memref<1000xf32, #tpu.memory_space<smem>>
      %broadcast_in_dim3A_347 = vector.broadcast %get3A_346 : f32 to vector<1x128xf32>
      %select_n3A_348 = arith.select %eq3A_344, %broadcast_in_dim3A_347, %select_n3A_332 : vector<1x128xi1>, vector<1x128xf32>
      %eq3A_349 = arith.constant 20 : i32
      %eq3A_350 = vector.broadcast %eq3A_349 : i32 to vector<1x128xi32>
      %eq3A_351 = arith.cmpi eq, %iota3A, %eq3A_350 : vector<1x128xi32>
      %get3A_352 = arith.index_cast %get3A_341 : i32 to index
      %get3A_353 = memref.load %arg3[%get3A_352] : memref<1000xf32, #tpu.memory_space<smem>>
      %broadcast_in_dim3A_354 = vector.broadcast %get3A_353 : f32 to vector<1x128xf32>
      %select_n3A_355 = arith.select %eq3A_351, %broadcast_in_dim3A_354, %select_n3A_339 : vector<1x128xi1>, vector<1x128xf32>
      %get3A_356 = arith.constant 21 : index
      %get3A_357 = memref.load %arg1[%get3A_356] : memref<128xi32, #tpu.memory_space<smem>>
      %eq3A_358 = arith.constant 21 : i32
      %eq3A_359 = vector.broadcast %eq3A_358 : i32 to vector<1x128xi32>
      %eq3A_360 = arith.cmpi eq, %iota3A, %eq3A_359 : vector<1x128xi32>
      %get3A_361 = arith.index_cast %get3A_357 : i32 to index
      %get3A_362 = memref.load %arg2[%get3A_361] : memref<1000xf32, #tpu.memory_space<smem>>
      %broadcast_in_dim3A_363 = vector.broadcast %get3A_362 : f32 to vector<1x128xf32>
      %select_n3A_364 = arith.select %eq3A_360, %broadcast_in_dim3A_363, %select_n3A_348 : vector<1x128xi1>, vector<1x128xf32>
      %eq3A_365 = arith.constant 21 : i32
      %eq3A_366 = vector.broadcast %eq3A_365 : i32 to vector<1x128xi32>
      %eq3A_367 = arith.cmpi eq, %iota3A, %eq3A_366 : vector<1x128xi32>
      %get3A_368 = arith.index_cast %get3A_357 : i32 to index
      %get3A_369 = memref.load %arg3[%get3A_368] : memref<1000xf32, #tpu.memory_space<smem>>
      %broadcast_in_dim3A_370 = vector.broadcast %get3A_369 : f32 to vector<1x128xf32>
      %select_n3A_371 = arith.select %eq3A_367, %broadcast_in_dim3A_370, %select_n3A_355 : vector<1x128xi1>, vector<1x128xf32>
      %get3A_372 = arith.constant 22 : index
      %get3A_373 = memref.load %arg1[%get3A_372] : memref<128xi32, #tpu.memory_space<smem>>
      %eq3A_374 = arith.constant 22 : i32
      %eq3A_375 = vector.broadcast %eq3A_374 : i32 to vector<1x128xi32>
      %eq3A_376 = arith.cmpi eq, %iota3A, %eq3A_375 : vector<1x128xi32>
      %get3A_377 = arith.index_cast %get3A_373 : i32 to index
      %get3A_378 = memref.load %arg2[%get3A_377] : memref<1000xf32, #tpu.memory_space<smem>>
      %broadcast_in_dim3A_379 = vector.broadcast %get3A_378 : f32 to vector<1x128xf32>
      %select_n3A_380 = arith.select %eq3A_376, %broadcast_in_dim3A_379, %select_n3A_364 : vector<1x128xi1>, vector<1x128xf32>
      %eq3A_381 = arith.constant 22 : i32
      %eq3A_382 = vector.broadcast %eq3A_381 : i32 to vector<1x128xi32>
      %eq3A_383 = arith.cmpi eq, %iota3A, %eq3A_382 : vector<1x128xi32>
      %get3A_384 = arith.index_cast %get3A_373 : i32 to index
      %get3A_385 = memref.load %arg3[%get3A_384] : memref<1000xf32, #tpu.memory_space<smem>>
      %broadcast_in_dim3A_386 = vector.broadcast %get3A_385 : f32 to vector<1x128xf32>
      %select_n3A_387 = arith.select %eq3A_383, %broadcast_in_dim3A_386, %select_n3A_371 : vector<1x128xi1>, vector<1x128xf32>
      %get3A_388 = arith.constant 23 : index
      %get3A_389 = memref.load %arg1[%get3A_388] : memref<128xi32, #tpu.memory_space<smem>>
      %eq3A_390 = arith.constant 23 : i32
      %eq3A_391 = vector.broadcast %eq3A_390 : i32 to vector<1x128xi32>
      %eq3A_392 = arith.cmpi eq, %iota3A, %eq3A_391 : vector<1x128xi32>
      %get3A_393 = arith.index_cast %get3A_389 : i32 to index
      %get3A_394 = memref.load %arg2[%get3A_393] : memref<1000xf32, #tpu.memory_space<smem>>
      %broadcast_in_dim3A_395 = vector.broadcast %get3A_394 : f32 to vector<1x128xf32>
      %select_n3A_396 = arith.select %eq3A_392, %broadcast_in_dim3A_395, %select_n3A_380 : vector<1x128xi1>, vector<1x128xf32>
      %eq3A_397 = arith.constant 23 : i32
      %eq3A_398 = vector.broadcast %eq3A_397 : i32 to vector<1x128xi32>
      %eq3A_399 = arith.cmpi eq, %iota3A, %eq3A_398 : vector<1x128xi32>
      %get3A_400 = arith.index_cast %get3A_389 : i32 to index
      %get3A_401 = memref.load %arg3[%get3A_400] : memref<1000xf32, #tpu.memory_space<smem>>
      %broadcast_in_dim3A_402 = vector.broadcast %get3A_401 : f32 to vector<1x128xf32>
      %select_n3A_403 = arith.select %eq3A_399, %broadcast_in_dim3A_402, %select_n3A_387 : vector<1x128xi1>, vector<1x128xf32>
      %get3A_404 = arith.constant 24 : index
      %get3A_405 = memref.load %arg1[%get3A_404] : memref<128xi32, #tpu.memory_space<smem>>
      %eq3A_406 = arith.constant 24 : i32
      %eq3A_407 = vector.broadcast %eq3A_406 : i32 to vector<1x128xi32>
      %eq3A_408 = arith.cmpi eq, %iota3A, %eq3A_407 : vector<1x128xi32>
      %get3A_409 = arith.index_cast %get3A_405 : i32 to index
      %get3A_410 = memref.load %arg2[%get3A_409] : memref<1000xf32, #tpu.memory_space<smem>>
      %broadcast_in_dim3A_411 = vector.broadcast %get3A_410 : f32 to vector<1x128xf32>
      %select_n3A_412 = arith.select %eq3A_408, %broadcast_in_dim3A_411, %select_n3A_396 : vector<1x128xi1>, vector<1x128xf32>
      %eq3A_413 = arith.constant 24 : i32
      %eq3A_414 = vector.broadcast %eq3A_413 : i32 to vector<1x128xi32>
      %eq3A_415 = arith.cmpi eq, %iota3A, %eq3A_414 : vector<1x128xi32>
      %get3A_416 = arith.index_cast %get3A_405 : i32 to index
      %get3A_417 = memref.load %arg3[%get3A_416] : memref<1000xf32, #tpu.memory_space<smem>>
      %broadcast_in_dim3A_418 = vector.broadcast %get3A_417 : f32 to vector<1x128xf32>
      %select_n3A_419 = arith.select %eq3A_415, %broadcast_in_dim3A_418, %select_n3A_403 : vector<1x128xi1>, vector<1x128xf32>
      %get3A_420 = arith.constant 25 : index
      %get3A_421 = memref.load %arg1[%get3A_420] : memref<128xi32, #tpu.memory_space<smem>>
      %eq3A_422 = arith.constant 25 : i32
      %eq3A_423 = vector.broadcast %eq3A_422 : i32 to vector<1x128xi32>
      %eq3A_424 = arith.cmpi eq, %iota3A, %eq3A_423 : vector<1x128xi32>
      %get3A_425 = arith.index_cast %get3A_421 : i32 to index
      %get3A_426 = memref.load %arg2[%get3A_425] : memref<1000xf32, #tpu.memory_space<smem>>
      %broadcast_in_dim3A_427 = vector.broadcast %get3A_426 : f32 to vector<1x128xf32>
      %select_n3A_428 = arith.select %eq3A_424, %broadcast_in_dim3A_427, %select_n3A_412 : vector<1x128xi1>, vector<1x128xf32>
      %eq3A_429 = arith.constant 25 : i32
      %eq3A_430 = vector.broadcast %eq3A_429 : i32 to vector<1x128xi32>
      %eq3A_431 = arith.cmpi eq, %iota3A, %eq3A_430 : vector<1x128xi32>
      %get3A_432 = arith.index_cast %get3A_421 : i32 to index
      %get3A_433 = memref.load %arg3[%get3A_432] : memref<1000xf32, #tpu.memory_space<smem>>
      %broadcast_in_dim3A_434 = vector.broadcast %get3A_433 : f32 to vector<1x128xf32>
      %select_n3A_435 = arith.select %eq3A_431, %broadcast_in_dim3A_434, %select_n3A_419 : vector<1x128xi1>, vector<1x128xf32>
      %get3A_436 = arith.constant 26 : index
      %get3A_437 = memref.load %arg1[%get3A_436] : memref<128xi32, #tpu.memory_space<smem>>
      %eq3A_438 = arith.constant 26 : i32
      %eq3A_439 = vector.broadcast %eq3A_438 : i32 to vector<1x128xi32>
      %eq3A_440 = arith.cmpi eq, %iota3A, %eq3A_439 : vector<1x128xi32>
      %get3A_441 = arith.index_cast %get3A_437 : i32 to index
      %get3A_442 = memref.load %arg2[%get3A_441] : memref<1000xf32, #tpu.memory_space<smem>>
      %broadcast_in_dim3A_443 = vector.broadcast %get3A_442 : f32 to vector<1x128xf32>
      %select_n3A_444 = arith.select %eq3A_440, %broadcast_in_dim3A_443, %select_n3A_428 : vector<1x128xi1>, vector<1x128xf32>
      %eq3A_445 = arith.constant 26 : i32
      %eq3A_446 = vector.broadcast %eq3A_445 : i32 to vector<1x128xi32>
      %eq3A_447 = arith.cmpi eq, %iota3A, %eq3A_446 : vector<1x128xi32>
      %get3A_448 = arith.index_cast %get3A_437 : i32 to index
      %get3A_449 = memref.load %arg3[%get3A_448] : memref<1000xf32, #tpu.memory_space<smem>>
      %broadcast_in_dim3A_450 = vector.broadcast %get3A_449 : f32 to vector<1x128xf32>
      %select_n3A_451 = arith.select %eq3A_447, %broadcast_in_dim3A_450, %select_n3A_435 : vector<1x128xi1>, vector<1x128xf32>
      %get3A_452 = arith.constant 27 : index
      %get3A_453 = memref.load %arg1[%get3A_452] : memref<128xi32, #tpu.memory_space<smem>>
      %eq3A_454 = arith.constant 27 : i32
      %eq3A_455 = vector.broadcast %eq3A_454 : i32 to vector<1x128xi32>
      %eq3A_456 = arith.cmpi eq, %iota3A, %eq3A_455 : vector<1x128xi32>
      %get3A_457 = arith.index_cast %get3A_453 : i32 to index
      %get3A_458 = memref.load %arg2[%get3A_457] : memref<1000xf32, #tpu.memory_space<smem>>
      %broadcast_in_dim3A_459 = vector.broadcast %get3A_458 : f32 to vector<1x128xf32>
      %select_n3A_460 = arith.select %eq3A_456, %broadcast_in_dim3A_459, %select_n3A_444 : vector<1x128xi1>, vector<1x128xf32>
      %eq3A_461 = arith.constant 27 : i32
      %eq3A_462 = vector.broadcast %eq3A_461 : i32 to vector<1x128xi32>
      %eq3A_463 = arith.cmpi eq, %iota3A, %eq3A_462 : vector<1x128xi32>
      %get3A_464 = arith.index_cast %get3A_453 : i32 to index
      %get3A_465 = memref.load %arg3[%get3A_464] : memref<1000xf32, #tpu.memory_space<smem>>
      %broadcast_in_dim3A_466 = vector.broadcast %get3A_465 : f32 to vector<1x128xf32>
      %select_n3A_467 = arith.select %eq3A_463, %broadcast_in_dim3A_466, %select_n3A_451 : vector<1x128xi1>, vector<1x128xf32>
      %get3A_468 = arith.constant 28 : index
      %get3A_469 = memref.load %arg1[%get3A_468] : memref<128xi32, #tpu.memory_space<smem>>
      %eq3A_470 = arith.constant 28 : i32
      %eq3A_471 = vector.broadcast %eq3A_470 : i32 to vector<1x128xi32>
      %eq3A_472 = arith.cmpi eq, %iota3A, %eq3A_471 : vector<1x128xi32>
      %get3A_473 = arith.index_cast %get3A_469 : i32 to index
      %get3A_474 = memref.load %arg2[%get3A_473] : memref<1000xf32, #tpu.memory_space<smem>>
      %broadcast_in_dim3A_475 = vector.broadcast %get3A_474 : f32 to vector<1x128xf32>
      %select_n3A_476 = arith.select %eq3A_472, %broadcast_in_dim3A_475, %select_n3A_460 : vector<1x128xi1>, vector<1x128xf32>
      %eq3A_477 = arith.constant 28 : i32
      %eq3A_478 = vector.broadcast %eq3A_477 : i32 to vector<1x128xi32>
      %eq3A_479 = arith.cmpi eq, %iota3A, %eq3A_478 : vector<1x128xi32>
      %get3A_480 = arith.index_cast %get3A_469 : i32 to index
      %get3A_481 = memref.load %arg3[%get3A_480] : memref<1000xf32, #tpu.memory_space<smem>>
      %broadcast_in_dim3A_482 = vector.broadcast %get3A_481 : f32 to vector<1x128xf32>
      %select_n3A_483 = arith.select %eq3A_479, %broadcast_in_dim3A_482, %select_n3A_467 : vector<1x128xi1>, vector<1x128xf32>
      %get3A_484 = arith.constant 29 : index
      %get3A_485 = memref.load %arg1[%get3A_484] : memref<128xi32, #tpu.memory_space<smem>>
      %eq3A_486 = arith.constant 29 : i32
      %eq3A_487 = vector.broadcast %eq3A_486 : i32 to vector<1x128xi32>
      %eq3A_488 = arith.cmpi eq, %iota3A, %eq3A_487 : vector<1x128xi32>
      %get3A_489 = arith.index_cast %get3A_485 : i32 to index
      %get3A_490 = memref.load %arg2[%get3A_489] : memref<1000xf32, #tpu.memory_space<smem>>
      %broadcast_in_dim3A_491 = vector.broadcast %get3A_490 : f32 to vector<1x128xf32>
      %select_n3A_492 = arith.select %eq3A_488, %broadcast_in_dim3A_491, %select_n3A_476 : vector<1x128xi1>, vector<1x128xf32>
      %eq3A_493 = arith.constant 29 : i32
      %eq3A_494 = vector.broadcast %eq3A_493 : i32 to vector<1x128xi32>
      %eq3A_495 = arith.cmpi eq, %iota3A, %eq3A_494 : vector<1x128xi32>
      %get3A_496 = arith.index_cast %get3A_485 : i32 to index
      %get3A_497 = memref.load %arg3[%get3A_496] : memref<1000xf32, #tpu.memory_space<smem>>
      %broadcast_in_dim3A_498 = vector.broadcast %get3A_497 : f32 to vector<1x128xf32>
      %select_n3A_499 = arith.select %eq3A_495, %broadcast_in_dim3A_498, %select_n3A_483 : vector<1x128xi1>, vector<1x128xf32>
      %get3A_500 = arith.constant 30 : index
      %get3A_501 = memref.load %arg1[%get3A_500] : memref<128xi32, #tpu.memory_space<smem>>
      %eq3A_502 = arith.constant 30 : i32
      %eq3A_503 = vector.broadcast %eq3A_502 : i32 to vector<1x128xi32>
      %eq3A_504 = arith.cmpi eq, %iota3A, %eq3A_503 : vector<1x128xi32>
      %get3A_505 = arith.index_cast %get3A_501 : i32 to index
      %get3A_506 = memref.load %arg2[%get3A_505] : memref<1000xf32, #tpu.memory_space<smem>>
      %broadcast_in_dim3A_507 = vector.broadcast %get3A_506 : f32 to vector<1x128xf32>
      %select_n3A_508 = arith.select %eq3A_504, %broadcast_in_dim3A_507, %select_n3A_492 : vector<1x128xi1>, vector<1x128xf32>
      %eq3A_509 = arith.constant 30 : i32
      %eq3A_510 = vector.broadcast %eq3A_509 : i32 to vector<1x128xi32>
      %eq3A_511 = arith.cmpi eq, %iota3A, %eq3A_510 : vector<1x128xi32>
      %get3A_512 = arith.index_cast %get3A_501 : i32 to index
      %get3A_513 = memref.load %arg3[%get3A_512] : memref<1000xf32, #tpu.memory_space<smem>>
      %broadcast_in_dim3A_514 = vector.broadcast %get3A_513 : f32 to vector<1x128xf32>
      %select_n3A_515 = arith.select %eq3A_511, %broadcast_in_dim3A_514, %select_n3A_499 : vector<1x128xi1>, vector<1x128xf32>
      %get3A_516 = arith.constant 31 : index
      %get3A_517 = memref.load %arg1[%get3A_516] : memref<128xi32, #tpu.memory_space<smem>>
      %eq3A_518 = arith.constant 31 : i32
      %eq3A_519 = vector.broadcast %eq3A_518 : i32 to vector<1x128xi32>
      %eq3A_520 = arith.cmpi eq, %iota3A, %eq3A_519 : vector<1x128xi32>
      %get3A_521 = arith.index_cast %get3A_517 : i32 to index
      %get3A_522 = memref.load %arg2[%get3A_521] : memref<1000xf32, #tpu.memory_space<smem>>
      %broadcast_in_dim3A_523 = vector.broadcast %get3A_522 : f32 to vector<1x128xf32>
      %select_n3A_524 = arith.select %eq3A_520, %broadcast_in_dim3A_523, %select_n3A_508 : vector<1x128xi1>, vector<1x128xf32>
      %eq3A_525 = arith.constant 31 : i32
      %eq3A_526 = vector.broadcast %eq3A_525 : i32 to vector<1x128xi32>
      %eq3A_527 = arith.cmpi eq, %iota3A, %eq3A_526 : vector<1x128xi32>
      %get3A_528 = arith.index_cast %get3A_517 : i32 to index
      %get3A_529 = memref.load %arg3[%get3A_528] : memref<1000xf32, #tpu.memory_space<smem>>
      %broadcast_in_dim3A_530 = vector.broadcast %get3A_529 : f32 to vector<1x128xf32>
      %select_n3A_531 = arith.select %eq3A_527, %broadcast_in_dim3A_530, %select_n3A_515 : vector<1x128xi1>, vector<1x128xf32>
      %get3A_532 = arith.constant 32 : index
      %get3A_533 = memref.load %arg1[%get3A_532] : memref<128xi32, #tpu.memory_space<smem>>
      %eq3A_534 = arith.constant 32 : i32
      %eq3A_535 = vector.broadcast %eq3A_534 : i32 to vector<1x128xi32>
      %eq3A_536 = arith.cmpi eq, %iota3A, %eq3A_535 : vector<1x128xi32>
      %get3A_537 = arith.index_cast %get3A_533 : i32 to index
      %get3A_538 = memref.load %arg2[%get3A_537] : memref<1000xf32, #tpu.memory_space<smem>>
      %broadcast_in_dim3A_539 = vector.broadcast %get3A_538 : f32 to vector<1x128xf32>
      %select_n3A_540 = arith.select %eq3A_536, %broadcast_in_dim3A_539, %select_n3A_524 : vector<1x128xi1>, vector<1x128xf32>
      %eq3A_541 = arith.constant 32 : i32
      %eq3A_542 = vector.broadcast %eq3A_541 : i32 to vector<1x128xi32>
      %eq3A_543 = arith.cmpi eq, %iota3A, %eq3A_542 : vector<1x128xi32>
      %get3A_544 = arith.index_cast %get3A_533 : i32 to index
      %get3A_545 = memref.load %arg3[%get3A_544] : memref<1000xf32, #tpu.memory_space<smem>>
      %broadcast_in_dim3A_546 = vector.broadcast %get3A_545 : f32 to vector<1x128xf32>
      %select_n3A_547 = arith.select %eq3A_543, %broadcast_in_dim3A_546, %select_n3A_531 : vector<1x128xi1>, vector<1x128xf32>
      %get3A_548 = arith.constant 33 : index
      %get3A_549 = memref.load %arg1[%get3A_548] : memref<128xi32, #tpu.memory_space<smem>>
      %eq3A_550 = arith.constant 33 : i32
      %eq3A_551 = vector.broadcast %eq3A_550 : i32 to vector<1x128xi32>
      %eq3A_552 = arith.cmpi eq, %iota3A, %eq3A_551 : vector<1x128xi32>
      %get3A_553 = arith.index_cast %get3A_549 : i32 to index
      %get3A_554 = memref.load %arg2[%get3A_553] : memref<1000xf32, #tpu.memory_space<smem>>
      %broadcast_in_dim3A_555 = vector.broadcast %get3A_554 : f32 to vector<1x128xf32>
      %select_n3A_556 = arith.select %eq3A_552, %broadcast_in_dim3A_555, %select_n3A_540 : vector<1x128xi1>, vector<1x128xf32>
      %eq3A_557 = arith.constant 33 : i32
      %eq3A_558 = vector.broadcast %eq3A_557 : i32 to vector<1x128xi32>
      %eq3A_559 = arith.cmpi eq, %iota3A, %eq3A_558 : vector<1x128xi32>
      %get3A_560 = arith.index_cast %get3A_549 : i32 to index
      %get3A_561 = memref.load %arg3[%get3A_560] : memref<1000xf32, #tpu.memory_space<smem>>
      %broadcast_in_dim3A_562 = vector.broadcast %get3A_561 : f32 to vector<1x128xf32>
      %select_n3A_563 = arith.select %eq3A_559, %broadcast_in_dim3A_562, %select_n3A_547 : vector<1x128xi1>, vector<1x128xf32>
      %get3A_564 = arith.constant 34 : index
      %get3A_565 = memref.load %arg1[%get3A_564] : memref<128xi32, #tpu.memory_space<smem>>
      %eq3A_566 = arith.constant 34 : i32
      %eq3A_567 = vector.broadcast %eq3A_566 : i32 to vector<1x128xi32>
      %eq3A_568 = arith.cmpi eq, %iota3A, %eq3A_567 : vector<1x128xi32>
      %get3A_569 = arith.index_cast %get3A_565 : i32 to index
      %get3A_570 = memref.load %arg2[%get3A_569] : memref<1000xf32, #tpu.memory_space<smem>>
      %broadcast_in_dim3A_571 = vector.broadcast %get3A_570 : f32 to vector<1x128xf32>
      %select_n3A_572 = arith.select %eq3A_568, %broadcast_in_dim3A_571, %select_n3A_556 : vector<1x128xi1>, vector<1x128xf32>
      %eq3A_573 = arith.constant 34 : i32
      %eq3A_574 = vector.broadcast %eq3A_573 : i32 to vector<1x128xi32>
      %eq3A_575 = arith.cmpi eq, %iota3A, %eq3A_574 : vector<1x128xi32>
      %get3A_576 = arith.index_cast %get3A_565 : i32 to index
      %get3A_577 = memref.load %arg3[%get3A_576] : memref<1000xf32, #tpu.memory_space<smem>>
      %broadcast_in_dim3A_578 = vector.broadcast %get3A_577 : f32 to vector<1x128xf32>
      %select_n3A_579 = arith.select %eq3A_575, %broadcast_in_dim3A_578, %select_n3A_563 : vector<1x128xi1>, vector<1x128xf32>
      %get3A_580 = arith.constant 35 : index
      %get3A_581 = memref.load %arg1[%get3A_580] : memref<128xi32, #tpu.memory_space<smem>>
      %eq3A_582 = arith.constant 35 : i32
      %eq3A_583 = vector.broadcast %eq3A_582 : i32 to vector<1x128xi32>
      %eq3A_584 = arith.cmpi eq, %iota3A, %eq3A_583 : vector<1x128xi32>
      %get3A_585 = arith.index_cast %get3A_581 : i32 to index
      %get3A_586 = memref.load %arg2[%get3A_585] : memref<1000xf32, #tpu.memory_space<smem>>
      %broadcast_in_dim3A_587 = vector.broadcast %get3A_586 : f32 to vector<1x128xf32>
      %select_n3A_588 = arith.select %eq3A_584, %broadcast_in_dim3A_587, %select_n3A_572 : vector<1x128xi1>, vector<1x128xf32>
      %eq3A_589 = arith.constant 35 : i32
      %eq3A_590 = vector.broadcast %eq3A_589 : i32 to vector<1x128xi32>
      %eq3A_591 = arith.cmpi eq, %iota3A, %eq3A_590 : vector<1x128xi32>
      %get3A_592 = arith.index_cast %get3A_581 : i32 to index
      %get3A_593 = memref.load %arg3[%get3A_592] : memref<1000xf32, #tpu.memory_space<smem>>
      %broadcast_in_dim3A_594 = vector.broadcast %get3A_593 : f32 to vector<1x128xf32>
      %select_n3A_595 = arith.select %eq3A_591, %broadcast_in_dim3A_594, %select_n3A_579 : vector<1x128xi1>, vector<1x128xf32>
      %get3A_596 = arith.constant 36 : index
      %get3A_597 = memref.load %arg1[%get3A_596] : memref<128xi32, #tpu.memory_space<smem>>
      %eq3A_598 = arith.constant 36 : i32
      %eq3A_599 = vector.broadcast %eq3A_598 : i32 to vector<1x128xi32>
      %eq3A_600 = arith.cmpi eq, %iota3A, %eq3A_599 : vector<1x128xi32>
      %get3A_601 = arith.index_cast %get3A_597 : i32 to index
      %get3A_602 = memref.load %arg2[%get3A_601] : memref<1000xf32, #tpu.memory_space<smem>>
      %broadcast_in_dim3A_603 = vector.broadcast %get3A_602 : f32 to vector<1x128xf32>
      %select_n3A_604 = arith.select %eq3A_600, %broadcast_in_dim3A_603, %select_n3A_588 : vector<1x128xi1>, vector<1x128xf32>
      %eq3A_605 = arith.constant 36 : i32
      %eq3A_606 = vector.broadcast %eq3A_605 : i32 to vector<1x128xi32>
      %eq3A_607 = arith.cmpi eq, %iota3A, %eq3A_606 : vector<1x128xi32>
      %get3A_608 = arith.index_cast %get3A_597 : i32 to index
      %get3A_609 = memref.load %arg3[%get3A_608] : memref<1000xf32, #tpu.memory_space<smem>>
      %broadcast_in_dim3A_610 = vector.broadcast %get3A_609 : f32 to vector<1x128xf32>
      %select_n3A_611 = arith.select %eq3A_607, %broadcast_in_dim3A_610, %select_n3A_595 : vector<1x128xi1>, vector<1x128xf32>
      %get3A_612 = arith.constant 37 : index
      %get3A_613 = memref.load %arg1[%get3A_612] : memref<128xi32, #tpu.memory_space<smem>>
      %eq3A_614 = arith.constant 37 : i32
      %eq3A_615 = vector.broadcast %eq3A_614 : i32 to vector<1x128xi32>
      %eq3A_616 = arith.cmpi eq, %iota3A, %eq3A_615 : vector<1x128xi32>
      %get3A_617 = arith.index_cast %get3A_613 : i32 to index
      %get3A_618 = memref.load %arg2[%get3A_617] : memref<1000xf32, #tpu.memory_space<smem>>
      %broadcast_in_dim3A_619 = vector.broadcast %get3A_618 : f32 to vector<1x128xf32>
      %select_n3A_620 = arith.select %eq3A_616, %broadcast_in_dim3A_619, %select_n3A_604 : vector<1x128xi1>, vector<1x128xf32>
      %eq3A_621 = arith.constant 37 : i32
      %eq3A_622 = vector.broadcast %eq3A_621 : i32 to vector<1x128xi32>
      %eq3A_623 = arith.cmpi eq, %iota3A, %eq3A_622 : vector<1x128xi32>
      %get3A_624 = arith.index_cast %get3A_613 : i32 to index
      %get3A_625 = memref.load %arg3[%get3A_624] : memref<1000xf32, #tpu.memory_space<smem>>
      %broadcast_in_dim3A_626 = vector.broadcast %get3A_625 : f32 to vector<1x128xf32>
      %select_n3A_627 = arith.select %eq3A_623, %broadcast_in_dim3A_626, %select_n3A_611 : vector<1x128xi1>, vector<1x128xf32>
      %get3A_628 = arith.constant 38 : index
      %get3A_629 = memref.load %arg1[%get3A_628] : memref<128xi32, #tpu.memory_space<smem>>
      %eq3A_630 = arith.constant 38 : i32
      %eq3A_631 = vector.broadcast %eq3A_630 : i32 to vector<1x128xi32>
      %eq3A_632 = arith.cmpi eq, %iota3A, %eq3A_631 : vector<1x128xi32>
      %get3A_633 = arith.index_cast %get3A_629 : i32 to index
      %get3A_634 = memref.load %arg2[%get3A_633] : memref<1000xf32, #tpu.memory_space<smem>>
      %broadcast_in_dim3A_635 = vector.broadcast %get3A_634 : f32 to vector<1x128xf32>
      %select_n3A_636 = arith.select %eq3A_632, %broadcast_in_dim3A_635, %select_n3A_620 : vector<1x128xi1>, vector<1x128xf32>
      %eq3A_637 = arith.constant 38 : i32
      %eq3A_638 = vector.broadcast %eq3A_637 : i32 to vector<1x128xi32>
      %eq3A_639 = arith.cmpi eq, %iota3A, %eq3A_638 : vector<1x128xi32>
      %get3A_640 = arith.index_cast %get3A_629 : i32 to index
      %get3A_641 = memref.load %arg3[%get3A_640] : memref<1000xf32, #tpu.memory_space<smem>>
      %broadcast_in_dim3A_642 = vector.broadcast %get3A_641 : f32 to vector<1x128xf32>
      %select_n3A_643 = arith.select %eq3A_639, %broadcast_in_dim3A_642, %select_n3A_627 : vector<1x128xi1>, vector<1x128xf32>
      %get3A_644 = arith.constant 39 : index
      %get3A_645 = memref.load %arg1[%get3A_644] : memref<128xi32, #tpu.memory_space<smem>>
      %eq3A_646 = arith.constant 39 : i32
      %eq3A_647 = vector.broadcast %eq3A_646 : i32 to vector<1x128xi32>
      %eq3A_648 = arith.cmpi eq, %iota3A, %eq3A_647 : vector<1x128xi32>
      %get3A_649 = arith.index_cast %get3A_645 : i32 to index
      %get3A_650 = memref.load %arg2[%get3A_649] : memref<1000xf32, #tpu.memory_space<smem>>
      %broadcast_in_dim3A_651 = vector.broadcast %get3A_650 : f32 to vector<1x128xf32>
      %select_n3A_652 = arith.select %eq3A_648, %broadcast_in_dim3A_651, %select_n3A_636 : vector<1x128xi1>, vector<1x128xf32>
      %eq3A_653 = arith.constant 39 : i32
      %eq3A_654 = vector.broadcast %eq3A_653 : i32 to vector<1x128xi32>
      %eq3A_655 = arith.cmpi eq, %iota3A, %eq3A_654 : vector<1x128xi32>
      %get3A_656 = arith.index_cast %get3A_645 : i32 to index
      %get3A_657 = memref.load %arg3[%get3A_656] : memref<1000xf32, #tpu.memory_space<smem>>
      %broadcast_in_dim3A_658 = vector.broadcast %get3A_657 : f32 to vector<1x128xf32>
      %select_n3A_659 = arith.select %eq3A_655, %broadcast_in_dim3A_658, %select_n3A_643 : vector<1x128xi1>, vector<1x128xf32>
      %get3A_660 = arith.constant 40 : index
      %get3A_661 = memref.load %arg1[%get3A_660] : memref<128xi32, #tpu.memory_space<smem>>
      %eq3A_662 = arith.constant 40 : i32
      %eq3A_663 = vector.broadcast %eq3A_662 : i32 to vector<1x128xi32>
      %eq3A_664 = arith.cmpi eq, %iota3A, %eq3A_663 : vector<1x128xi32>
      %get3A_665 = arith.index_cast %get3A_661 : i32 to index
      %get3A_666 = memref.load %arg2[%get3A_665] : memref<1000xf32, #tpu.memory_space<smem>>
      %broadcast_in_dim3A_667 = vector.broadcast %get3A_666 : f32 to vector<1x128xf32>
      %select_n3A_668 = arith.select %eq3A_664, %broadcast_in_dim3A_667, %select_n3A_652 : vector<1x128xi1>, vector<1x128xf32>
      %eq3A_669 = arith.constant 40 : i32
      %eq3A_670 = vector.broadcast %eq3A_669 : i32 to vector<1x128xi32>
      %eq3A_671 = arith.cmpi eq, %iota3A, %eq3A_670 : vector<1x128xi32>
      %get3A_672 = arith.index_cast %get3A_661 : i32 to index
      %get3A_673 = memref.load %arg3[%get3A_672] : memref<1000xf32, #tpu.memory_space<smem>>
      %broadcast_in_dim3A_674 = vector.broadcast %get3A_673 : f32 to vector<1x128xf32>
      %select_n3A_675 = arith.select %eq3A_671, %broadcast_in_dim3A_674, %select_n3A_659 : vector<1x128xi1>, vector<1x128xf32>
      %get3A_676 = arith.constant 41 : index
      %get3A_677 = memref.load %arg1[%get3A_676] : memref<128xi32, #tpu.memory_space<smem>>
      %eq3A_678 = arith.constant 41 : i32
      %eq3A_679 = vector.broadcast %eq3A_678 : i32 to vector<1x128xi32>
      %eq3A_680 = arith.cmpi eq, %iota3A, %eq3A_679 : vector<1x128xi32>
      %get3A_681 = arith.index_cast %get3A_677 : i32 to index
      %get3A_682 = memref.load %arg2[%get3A_681] : memref<1000xf32, #tpu.memory_space<smem>>
      %broadcast_in_dim3A_683 = vector.broadcast %get3A_682 : f32 to vector<1x128xf32>
      %select_n3A_684 = arith.select %eq3A_680, %broadcast_in_dim3A_683, %select_n3A_668 : vector<1x128xi1>, vector<1x128xf32>
      %eq3A_685 = arith.constant 41 : i32
      %eq3A_686 = vector.broadcast %eq3A_685 : i32 to vector<1x128xi32>
      %eq3A_687 = arith.cmpi eq, %iota3A, %eq3A_686 : vector<1x128xi32>
      %get3A_688 = arith.index_cast %get3A_677 : i32 to index
      %get3A_689 = memref.load %arg3[%get3A_688] : memref<1000xf32, #tpu.memory_space<smem>>
      %broadcast_in_dim3A_690 = vector.broadcast %get3A_689 : f32 to vector<1x128xf32>
      %select_n3A_691 = arith.select %eq3A_687, %broadcast_in_dim3A_690, %select_n3A_675 : vector<1x128xi1>, vector<1x128xf32>
      %get3A_692 = arith.constant 42 : index
      %get3A_693 = memref.load %arg1[%get3A_692] : memref<128xi32, #tpu.memory_space<smem>>
      %eq3A_694 = arith.constant 42 : i32
      %eq3A_695 = vector.broadcast %eq3A_694 : i32 to vector<1x128xi32>
      %eq3A_696 = arith.cmpi eq, %iota3A, %eq3A_695 : vector<1x128xi32>
      %get3A_697 = arith.index_cast %get3A_693 : i32 to index
      %get3A_698 = memref.load %arg2[%get3A_697] : memref<1000xf32, #tpu.memory_space<smem>>
      %broadcast_in_dim3A_699 = vector.broadcast %get3A_698 : f32 to vector<1x128xf32>
      %select_n3A_700 = arith.select %eq3A_696, %broadcast_in_dim3A_699, %select_n3A_684 : vector<1x128xi1>, vector<1x128xf32>
      %eq3A_701 = arith.constant 42 : i32
      %eq3A_702 = vector.broadcast %eq3A_701 : i32 to vector<1x128xi32>
      %eq3A_703 = arith.cmpi eq, %iota3A, %eq3A_702 : vector<1x128xi32>
      %get3A_704 = arith.index_cast %get3A_693 : i32 to index
      %get3A_705 = memref.load %arg3[%get3A_704] : memref<1000xf32, #tpu.memory_space<smem>>
      %broadcast_in_dim3A_706 = vector.broadcast %get3A_705 : f32 to vector<1x128xf32>
      %select_n3A_707 = arith.select %eq3A_703, %broadcast_in_dim3A_706, %select_n3A_691 : vector<1x128xi1>, vector<1x128xf32>
      %get3A_708 = arith.constant 43 : index
      %get3A_709 = memref.load %arg1[%get3A_708] : memref<128xi32, #tpu.memory_space<smem>>
      %eq3A_710 = arith.constant 43 : i32
      %eq3A_711 = vector.broadcast %eq3A_710 : i32 to vector<1x128xi32>
      %eq3A_712 = arith.cmpi eq, %iota3A, %eq3A_711 : vector<1x128xi32>
      %get3A_713 = arith.index_cast %get3A_709 : i32 to index
      %get3A_714 = memref.load %arg2[%get3A_713] : memref<1000xf32, #tpu.memory_space<smem>>
      %broadcast_in_dim3A_715 = vector.broadcast %get3A_714 : f32 to vector<1x128xf32>
      %select_n3A_716 = arith.select %eq3A_712, %broadcast_in_dim3A_715, %select_n3A_700 : vector<1x128xi1>, vector<1x128xf32>
      %eq3A_717 = arith.constant 43 : i32
      %eq3A_718 = vector.broadcast %eq3A_717 : i32 to vector<1x128xi32>
      %eq3A_719 = arith.cmpi eq, %iota3A, %eq3A_718 : vector<1x128xi32>
      %get3A_720 = arith.index_cast %get3A_709 : i32 to index
      %get3A_721 = memref.load %arg3[%get3A_720] : memref<1000xf32, #tpu.memory_space<smem>>
      %broadcast_in_dim3A_722 = vector.broadcast %get3A_721 : f32 to vector<1x128xf32>
      %select_n3A_723 = arith.select %eq3A_719, %broadcast_in_dim3A_722, %select_n3A_707 : vector<1x128xi1>, vector<1x128xf32>
      %get3A_724 = arith.constant 44 : index
      %get3A_725 = memref.load %arg1[%get3A_724] : memref<128xi32, #tpu.memory_space<smem>>
      %eq3A_726 = arith.constant 44 : i32
      %eq3A_727 = vector.broadcast %eq3A_726 : i32 to vector<1x128xi32>
      %eq3A_728 = arith.cmpi eq, %iota3A, %eq3A_727 : vector<1x128xi32>
      %get3A_729 = arith.index_cast %get3A_725 : i32 to index
      %get3A_730 = memref.load %arg2[%get3A_729] : memref<1000xf32, #tpu.memory_space<smem>>
      %broadcast_in_dim3A_731 = vector.broadcast %get3A_730 : f32 to vector<1x128xf32>
      %select_n3A_732 = arith.select %eq3A_728, %broadcast_in_dim3A_731, %select_n3A_716 : vector<1x128xi1>, vector<1x128xf32>
      %eq3A_733 = arith.constant 44 : i32
      %eq3A_734 = vector.broadcast %eq3A_733 : i32 to vector<1x128xi32>
      %eq3A_735 = arith.cmpi eq, %iota3A, %eq3A_734 : vector<1x128xi32>
      %get3A_736 = arith.index_cast %get3A_725 : i32 to index
      %get3A_737 = memref.load %arg3[%get3A_736] : memref<1000xf32, #tpu.memory_space<smem>>
      %broadcast_in_dim3A_738 = vector.broadcast %get3A_737 : f32 to vector<1x128xf32>
      %select_n3A_739 = arith.select %eq3A_735, %broadcast_in_dim3A_738, %select_n3A_723 : vector<1x128xi1>, vector<1x128xf32>
      %get3A_740 = arith.constant 45 : index
      %get3A_741 = memref.load %arg1[%get3A_740] : memref<128xi32, #tpu.memory_space<smem>>
      %eq3A_742 = arith.constant 45 : i32
      %eq3A_743 = vector.broadcast %eq3A_742 : i32 to vector<1x128xi32>
      %eq3A_744 = arith.cmpi eq, %iota3A, %eq3A_743 : vector<1x128xi32>
      %get3A_745 = arith.index_cast %get3A_741 : i32 to index
      %get3A_746 = memref.load %arg2[%get3A_745] : memref<1000xf32, #tpu.memory_space<smem>>
      %broadcast_in_dim3A_747 = vector.broadcast %get3A_746 : f32 to vector<1x128xf32>
      %select_n3A_748 = arith.select %eq3A_744, %broadcast_in_dim3A_747, %select_n3A_732 : vector<1x128xi1>, vector<1x128xf32>
      %eq3A_749 = arith.constant 45 : i32
      %eq3A_750 = vector.broadcast %eq3A_749 : i32 to vector<1x128xi32>
      %eq3A_751 = arith.cmpi eq, %iota3A, %eq3A_750 : vector<1x128xi32>
      %get3A_752 = arith.index_cast %get3A_741 : i32 to index
      %get3A_753 = memref.load %arg3[%get3A_752] : memref<1000xf32, #tpu.memory_space<smem>>
      %broadcast_in_dim3A_754 = vector.broadcast %get3A_753 : f32 to vector<1x128xf32>
      %select_n3A_755 = arith.select %eq3A_751, %broadcast_in_dim3A_754, %select_n3A_739 : vector<1x128xi1>, vector<1x128xf32>
      %get3A_756 = arith.constant 46 : index
      %get3A_757 = memref.load %arg1[%get3A_756] : memref<128xi32, #tpu.memory_space<smem>>
      %eq3A_758 = arith.constant 46 : i32
      %eq3A_759 = vector.broadcast %eq3A_758 : i32 to vector<1x128xi32>
      %eq3A_760 = arith.cmpi eq, %iota3A, %eq3A_759 : vector<1x128xi32>
      %get3A_761 = arith.index_cast %get3A_757 : i32 to index
      %get3A_762 = memref.load %arg2[%get3A_761] : memref<1000xf32, #tpu.memory_space<smem>>
      %broadcast_in_dim3A_763 = vector.broadcast %get3A_762 : f32 to vector<1x128xf32>
      %select_n3A_764 = arith.select %eq3A_760, %broadcast_in_dim3A_763, %select_n3A_748 : vector<1x128xi1>, vector<1x128xf32>
      %eq3A_765 = arith.constant 46 : i32
      %eq3A_766 = vector.broadcast %eq3A_765 : i32 to vector<1x128xi32>
      %eq3A_767 = arith.cmpi eq, %iota3A, %eq3A_766 : vector<1x128xi32>
      %get3A_768 = arith.index_cast %get3A_757 : i32 to index
      %get3A_769 = memref.load %arg3[%get3A_768] : memref<1000xf32, #tpu.memory_space<smem>>
      %broadcast_in_dim3A_770 = vector.broadcast %get3A_769 : f32 to vector<1x128xf32>
      %select_n3A_771 = arith.select %eq3A_767, %broadcast_in_dim3A_770, %select_n3A_755 : vector<1x128xi1>, vector<1x128xf32>
      %get3A_772 = arith.constant 47 : index
      %get3A_773 = memref.load %arg1[%get3A_772] : memref<128xi32, #tpu.memory_space<smem>>
      %eq3A_774 = arith.constant 47 : i32
      %eq3A_775 = vector.broadcast %eq3A_774 : i32 to vector<1x128xi32>
      %eq3A_776 = arith.cmpi eq, %iota3A, %eq3A_775 : vector<1x128xi32>
      %get3A_777 = arith.index_cast %get3A_773 : i32 to index
      %get3A_778 = memref.load %arg2[%get3A_777] : memref<1000xf32, #tpu.memory_space<smem>>
      %broadcast_in_dim3A_779 = vector.broadcast %get3A_778 : f32 to vector<1x128xf32>
      %select_n3A_780 = arith.select %eq3A_776, %broadcast_in_dim3A_779, %select_n3A_764 : vector<1x128xi1>, vector<1x128xf32>
      %eq3A_781 = arith.constant 47 : i32
      %eq3A_782 = vector.broadcast %eq3A_781 : i32 to vector<1x128xi32>
      %eq3A_783 = arith.cmpi eq, %iota3A, %eq3A_782 : vector<1x128xi32>
      %get3A_784 = arith.index_cast %get3A_773 : i32 to index
      %get3A_785 = memref.load %arg3[%get3A_784] : memref<1000xf32, #tpu.memory_space<smem>>
      %broadcast_in_dim3A_786 = vector.broadcast %get3A_785 : f32 to vector<1x128xf32>
      %select_n3A_787 = arith.select %eq3A_783, %broadcast_in_dim3A_786, %select_n3A_771 : vector<1x128xi1>, vector<1x128xf32>
      %get3A_788 = arith.constant 48 : index
      %get3A_789 = memref.load %arg1[%get3A_788] : memref<128xi32, #tpu.memory_space<smem>>
      %eq3A_790 = arith.constant 48 : i32
      %eq3A_791 = vector.broadcast %eq3A_790 : i32 to vector<1x128xi32>
      %eq3A_792 = arith.cmpi eq, %iota3A, %eq3A_791 : vector<1x128xi32>
      %get3A_793 = arith.index_cast %get3A_789 : i32 to index
      %get3A_794 = memref.load %arg2[%get3A_793] : memref<1000xf32, #tpu.memory_space<smem>>
      %broadcast_in_dim3A_795 = vector.broadcast %get3A_794 : f32 to vector<1x128xf32>
      %select_n3A_796 = arith.select %eq3A_792, %broadcast_in_dim3A_795, %select_n3A_780 : vector<1x128xi1>, vector<1x128xf32>
      %eq3A_797 = arith.constant 48 : i32
      %eq3A_798 = vector.broadcast %eq3A_797 : i32 to vector<1x128xi32>
      %eq3A_799 = arith.cmpi eq, %iota3A, %eq3A_798 : vector<1x128xi32>
      %get3A_800 = arith.index_cast %get3A_789 : i32 to index
      %get3A_801 = memref.load %arg3[%get3A_800] : memref<1000xf32, #tpu.memory_space<smem>>
      %broadcast_in_dim3A_802 = vector.broadcast %get3A_801 : f32 to vector<1x128xf32>
      %select_n3A_803 = arith.select %eq3A_799, %broadcast_in_dim3A_802, %select_n3A_787 : vector<1x128xi1>, vector<1x128xf32>
      %get3A_804 = arith.constant 49 : index
      %get3A_805 = memref.load %arg1[%get3A_804] : memref<128xi32, #tpu.memory_space<smem>>
      %eq3A_806 = arith.constant 49 : i32
      %eq3A_807 = vector.broadcast %eq3A_806 : i32 to vector<1x128xi32>
      %eq3A_808 = arith.cmpi eq, %iota3A, %eq3A_807 : vector<1x128xi32>
      %get3A_809 = arith.index_cast %get3A_805 : i32 to index
      %get3A_810 = memref.load %arg2[%get3A_809] : memref<1000xf32, #tpu.memory_space<smem>>
      %broadcast_in_dim3A_811 = vector.broadcast %get3A_810 : f32 to vector<1x128xf32>
      %select_n3A_812 = arith.select %eq3A_808, %broadcast_in_dim3A_811, %select_n3A_796 : vector<1x128xi1>, vector<1x128xf32>
      %eq3A_813 = arith.constant 49 : i32
      %eq3A_814 = vector.broadcast %eq3A_813 : i32 to vector<1x128xi32>
      %eq3A_815 = arith.cmpi eq, %iota3A, %eq3A_814 : vector<1x128xi32>
      %get3A_816 = arith.index_cast %get3A_805 : i32 to index
      %get3A_817 = memref.load %arg3[%get3A_816] : memref<1000xf32, #tpu.memory_space<smem>>
      %broadcast_in_dim3A_818 = vector.broadcast %get3A_817 : f32 to vector<1x128xf32>
      %select_n3A_819 = arith.select %eq3A_815, %broadcast_in_dim3A_818, %select_n3A_803 : vector<1x128xi1>, vector<1x128xf32>
      %get3A_820 = arith.constant 50 : index
      %get3A_821 = memref.load %arg1[%get3A_820] : memref<128xi32, #tpu.memory_space<smem>>
      %eq3A_822 = arith.constant 50 : i32
      %eq3A_823 = vector.broadcast %eq3A_822 : i32 to vector<1x128xi32>
      %eq3A_824 = arith.cmpi eq, %iota3A, %eq3A_823 : vector<1x128xi32>
      %get3A_825 = arith.index_cast %get3A_821 : i32 to index
      %get3A_826 = memref.load %arg2[%get3A_825] : memref<1000xf32, #tpu.memory_space<smem>>
      %broadcast_in_dim3A_827 = vector.broadcast %get3A_826 : f32 to vector<1x128xf32>
      %select_n3A_828 = arith.select %eq3A_824, %broadcast_in_dim3A_827, %select_n3A_812 : vector<1x128xi1>, vector<1x128xf32>
      %eq3A_829 = arith.constant 50 : i32
      %eq3A_830 = vector.broadcast %eq3A_829 : i32 to vector<1x128xi32>
      %eq3A_831 = arith.cmpi eq, %iota3A, %eq3A_830 : vector<1x128xi32>
      %get3A_832 = arith.index_cast %get3A_821 : i32 to index
      %get3A_833 = memref.load %arg3[%get3A_832] : memref<1000xf32, #tpu.memory_space<smem>>
      %broadcast_in_dim3A_834 = vector.broadcast %get3A_833 : f32 to vector<1x128xf32>
      %select_n3A_835 = arith.select %eq3A_831, %broadcast_in_dim3A_834, %select_n3A_819 : vector<1x128xi1>, vector<1x128xf32>
      %get3A_836 = arith.constant 51 : index
      %get3A_837 = memref.load %arg1[%get3A_836] : memref<128xi32, #tpu.memory_space<smem>>
      %eq3A_838 = arith.constant 51 : i32
      %eq3A_839 = vector.broadcast %eq3A_838 : i32 to vector<1x128xi32>
      %eq3A_840 = arith.cmpi eq, %iota3A, %eq3A_839 : vector<1x128xi32>
      %get3A_841 = arith.index_cast %get3A_837 : i32 to index
      %get3A_842 = memref.load %arg2[%get3A_841] : memref<1000xf32, #tpu.memory_space<smem>>
      %broadcast_in_dim3A_843 = vector.broadcast %get3A_842 : f32 to vector<1x128xf32>
      %select_n3A_844 = arith.select %eq3A_840, %broadcast_in_dim3A_843, %select_n3A_828 : vector<1x128xi1>, vector<1x128xf32>
      %eq3A_845 = arith.constant 51 : i32
      %eq3A_846 = vector.broadcast %eq3A_845 : i32 to vector<1x128xi32>
      %eq3A_847 = arith.cmpi eq, %iota3A, %eq3A_846 : vector<1x128xi32>
      %get3A_848 = arith.index_cast %get3A_837 : i32 to index
      %get3A_849 = memref.load %arg3[%get3A_848] : memref<1000xf32, #tpu.memory_space<smem>>
      %broadcast_in_dim3A_850 = vector.broadcast %get3A_849 : f32 to vector<1x128xf32>
      %select_n3A_851 = arith.select %eq3A_847, %broadcast_in_dim3A_850, %select_n3A_835 : vector<1x128xi1>, vector<1x128xf32>
      %get3A_852 = arith.constant 52 : index
      %get3A_853 = memref.load %arg1[%get3A_852] : memref<128xi32, #tpu.memory_space<smem>>
      %eq3A_854 = arith.constant 52 : i32
      %eq3A_855 = vector.broadcast %eq3A_854 : i32 to vector<1x128xi32>
      %eq3A_856 = arith.cmpi eq, %iota3A, %eq3A_855 : vector<1x128xi32>
      %get3A_857 = arith.index_cast %get3A_853 : i32 to index
      %get3A_858 = memref.load %arg2[%get3A_857] : memref<1000xf32, #tpu.memory_space<smem>>
      %broadcast_in_dim3A_859 = vector.broadcast %get3A_858 : f32 to vector<1x128xf32>
      %select_n3A_860 = arith.select %eq3A_856, %broadcast_in_dim3A_859, %select_n3A_844 : vector<1x128xi1>, vector<1x128xf32>
      %eq3A_861 = arith.constant 52 : i32
      %eq3A_862 = vector.broadcast %eq3A_861 : i32 to vector<1x128xi32>
      %eq3A_863 = arith.cmpi eq, %iota3A, %eq3A_862 : vector<1x128xi32>
      %get3A_864 = arith.index_cast %get3A_853 : i32 to index
      %get3A_865 = memref.load %arg3[%get3A_864] : memref<1000xf32, #tpu.memory_space<smem>>
      %broadcast_in_dim3A_866 = vector.broadcast %get3A_865 : f32 to vector<1x128xf32>
      %select_n3A_867 = arith.select %eq3A_863, %broadcast_in_dim3A_866, %select_n3A_851 : vector<1x128xi1>, vector<1x128xf32>
      %get3A_868 = arith.constant 53 : index
      %get3A_869 = memref.load %arg1[%get3A_868] : memref<128xi32, #tpu.memory_space<smem>>
      %eq3A_870 = arith.constant 53 : i32
      %eq3A_871 = vector.broadcast %eq3A_870 : i32 to vector<1x128xi32>
      %eq3A_872 = arith.cmpi eq, %iota3A, %eq3A_871 : vector<1x128xi32>
      %get3A_873 = arith.index_cast %get3A_869 : i32 to index
      %get3A_874 = memref.load %arg2[%get3A_873] : memref<1000xf32, #tpu.memory_space<smem>>
      %broadcast_in_dim3A_875 = vector.broadcast %get3A_874 : f32 to vector<1x128xf32>
      %select_n3A_876 = arith.select %eq3A_872, %broadcast_in_dim3A_875, %select_n3A_860 : vector<1x128xi1>, vector<1x128xf32>
      %eq3A_877 = arith.constant 53 : i32
      %eq3A_878 = vector.broadcast %eq3A_877 : i32 to vector<1x128xi32>
      %eq3A_879 = arith.cmpi eq, %iota3A, %eq3A_878 : vector<1x128xi32>
      %get3A_880 = arith.index_cast %get3A_869 : i32 to index
      %get3A_881 = memref.load %arg3[%get3A_880] : memref<1000xf32, #tpu.memory_space<smem>>
      %broadcast_in_dim3A_882 = vector.broadcast %get3A_881 : f32 to vector<1x128xf32>
      %select_n3A_883 = arith.select %eq3A_879, %broadcast_in_dim3A_882, %select_n3A_867 : vector<1x128xi1>, vector<1x128xf32>
      %get3A_884 = arith.constant 54 : index
      %get3A_885 = memref.load %arg1[%get3A_884] : memref<128xi32, #tpu.memory_space<smem>>
      %eq3A_886 = arith.constant 54 : i32
      %eq3A_887 = vector.broadcast %eq3A_886 : i32 to vector<1x128xi32>
      %eq3A_888 = arith.cmpi eq, %iota3A, %eq3A_887 : vector<1x128xi32>
      %get3A_889 = arith.index_cast %get3A_885 : i32 to index
      %get3A_890 = memref.load %arg2[%get3A_889] : memref<1000xf32, #tpu.memory_space<smem>>
      %broadcast_in_dim3A_891 = vector.broadcast %get3A_890 : f32 to vector<1x128xf32>
      %select_n3A_892 = arith.select %eq3A_888, %broadcast_in_dim3A_891, %select_n3A_876 : vector<1x128xi1>, vector<1x128xf32>
      %eq3A_893 = arith.constant 54 : i32
      %eq3A_894 = vector.broadcast %eq3A_893 : i32 to vector<1x128xi32>
      %eq3A_895 = arith.cmpi eq, %iota3A, %eq3A_894 : vector<1x128xi32>
      %get3A_896 = arith.index_cast %get3A_885 : i32 to index
      %get3A_897 = memref.load %arg3[%get3A_896] : memref<1000xf32, #tpu.memory_space<smem>>
      %broadcast_in_dim3A_898 = vector.broadcast %get3A_897 : f32 to vector<1x128xf32>
      %select_n3A_899 = arith.select %eq3A_895, %broadcast_in_dim3A_898, %select_n3A_883 : vector<1x128xi1>, vector<1x128xf32>
      %get3A_900 = arith.constant 55 : index
      %get3A_901 = memref.load %arg1[%get3A_900] : memref<128xi32, #tpu.memory_space<smem>>
      %eq3A_902 = arith.constant 55 : i32
      %eq3A_903 = vector.broadcast %eq3A_902 : i32 to vector<1x128xi32>
      %eq3A_904 = arith.cmpi eq, %iota3A, %eq3A_903 : vector<1x128xi32>
      %get3A_905 = arith.index_cast %get3A_901 : i32 to index
      %get3A_906 = memref.load %arg2[%get3A_905] : memref<1000xf32, #tpu.memory_space<smem>>
      %broadcast_in_dim3A_907 = vector.broadcast %get3A_906 : f32 to vector<1x128xf32>
      %select_n3A_908 = arith.select %eq3A_904, %broadcast_in_dim3A_907, %select_n3A_892 : vector<1x128xi1>, vector<1x128xf32>
      %eq3A_909 = arith.constant 55 : i32
      %eq3A_910 = vector.broadcast %eq3A_909 : i32 to vector<1x128xi32>
      %eq3A_911 = arith.cmpi eq, %iota3A, %eq3A_910 : vector<1x128xi32>
      %get3A_912 = arith.index_cast %get3A_901 : i32 to index
      %get3A_913 = memref.load %arg3[%get3A_912] : memref<1000xf32, #tpu.memory_space<smem>>
      %broadcast_in_dim3A_914 = vector.broadcast %get3A_913 : f32 to vector<1x128xf32>
      %select_n3A_915 = arith.select %eq3A_911, %broadcast_in_dim3A_914, %select_n3A_899 : vector<1x128xi1>, vector<1x128xf32>
      %get3A_916 = arith.constant 56 : index
      %get3A_917 = memref.load %arg1[%get3A_916] : memref<128xi32, #tpu.memory_space<smem>>
      %eq3A_918 = arith.constant 56 : i32
      %eq3A_919 = vector.broadcast %eq3A_918 : i32 to vector<1x128xi32>
      %eq3A_920 = arith.cmpi eq, %iota3A, %eq3A_919 : vector<1x128xi32>
      %get3A_921 = arith.index_cast %get3A_917 : i32 to index
      %get3A_922 = memref.load %arg2[%get3A_921] : memref<1000xf32, #tpu.memory_space<smem>>
      %broadcast_in_dim3A_923 = vector.broadcast %get3A_922 : f32 to vector<1x128xf32>
      %select_n3A_924 = arith.select %eq3A_920, %broadcast_in_dim3A_923, %select_n3A_908 : vector<1x128xi1>, vector<1x128xf32>
      %eq3A_925 = arith.constant 56 : i32
      %eq3A_926 = vector.broadcast %eq3A_925 : i32 to vector<1x128xi32>
      %eq3A_927 = arith.cmpi eq, %iota3A, %eq3A_926 : vector<1x128xi32>
      %get3A_928 = arith.index_cast %get3A_917 : i32 to index
      %get3A_929 = memref.load %arg3[%get3A_928] : memref<1000xf32, #tpu.memory_space<smem>>
      %broadcast_in_dim3A_930 = vector.broadcast %get3A_929 : f32 to vector<1x128xf32>
      %select_n3A_931 = arith.select %eq3A_927, %broadcast_in_dim3A_930, %select_n3A_915 : vector<1x128xi1>, vector<1x128xf32>
      %get3A_932 = arith.constant 57 : index
      %get3A_933 = memref.load %arg1[%get3A_932] : memref<128xi32, #tpu.memory_space<smem>>
      %eq3A_934 = arith.constant 57 : i32
      %eq3A_935 = vector.broadcast %eq3A_934 : i32 to vector<1x128xi32>
      %eq3A_936 = arith.cmpi eq, %iota3A, %eq3A_935 : vector<1x128xi32>
      %get3A_937 = arith.index_cast %get3A_933 : i32 to index
      %get3A_938 = memref.load %arg2[%get3A_937] : memref<1000xf32, #tpu.memory_space<smem>>
      %broadcast_in_dim3A_939 = vector.broadcast %get3A_938 : f32 to vector<1x128xf32>
      %select_n3A_940 = arith.select %eq3A_936, %broadcast_in_dim3A_939, %select_n3A_924 : vector<1x128xi1>, vector<1x128xf32>
      %eq3A_941 = arith.constant 57 : i32
      %eq3A_942 = vector.broadcast %eq3A_941 : i32 to vector<1x128xi32>
      %eq3A_943 = arith.cmpi eq, %iota3A, %eq3A_942 : vector<1x128xi32>
      %get3A_944 = arith.index_cast %get3A_933 : i32 to index
      %get3A_945 = memref.load %arg3[%get3A_944] : memref<1000xf32, #tpu.memory_space<smem>>
      %broadcast_in_dim3A_946 = vector.broadcast %get3A_945 : f32 to vector<1x128xf32>
      %select_n3A_947 = arith.select %eq3A_943, %broadcast_in_dim3A_946, %select_n3A_931 : vector<1x128xi1>, vector<1x128xf32>
      %get3A_948 = arith.constant 58 : index
      %get3A_949 = memref.load %arg1[%get3A_948] : memref<128xi32, #tpu.memory_space<smem>>
      %eq3A_950 = arith.constant 58 : i32
      %eq3A_951 = vector.broadcast %eq3A_950 : i32 to vector<1x128xi32>
      %eq3A_952 = arith.cmpi eq, %iota3A, %eq3A_951 : vector<1x128xi32>
      %get3A_953 = arith.index_cast %get3A_949 : i32 to index
      %get3A_954 = memref.load %arg2[%get3A_953] : memref<1000xf32, #tpu.memory_space<smem>>
      %broadcast_in_dim3A_955 = vector.broadcast %get3A_954 : f32 to vector<1x128xf32>
      %select_n3A_956 = arith.select %eq3A_952, %broadcast_in_dim3A_955, %select_n3A_940 : vector<1x128xi1>, vector<1x128xf32>
      %eq3A_957 = arith.constant 58 : i32
      %eq3A_958 = vector.broadcast %eq3A_957 : i32 to vector<1x128xi32>
      %eq3A_959 = arith.cmpi eq, %iota3A, %eq3A_958 : vector<1x128xi32>
      %get3A_960 = arith.index_cast %get3A_949 : i32 to index
      %get3A_961 = memref.load %arg3[%get3A_960] : memref<1000xf32, #tpu.memory_space<smem>>
      %broadcast_in_dim3A_962 = vector.broadcast %get3A_961 : f32 to vector<1x128xf32>
      %select_n3A_963 = arith.select %eq3A_959, %broadcast_in_dim3A_962, %select_n3A_947 : vector<1x128xi1>, vector<1x128xf32>
      %get3A_964 = arith.constant 59 : index
      %get3A_965 = memref.load %arg1[%get3A_964] : memref<128xi32, #tpu.memory_space<smem>>
      %eq3A_966 = arith.constant 59 : i32
      %eq3A_967 = vector.broadcast %eq3A_966 : i32 to vector<1x128xi32>
      %eq3A_968 = arith.cmpi eq, %iota3A, %eq3A_967 : vector<1x128xi32>
      %get3A_969 = arith.index_cast %get3A_965 : i32 to index
      %get3A_970 = memref.load %arg2[%get3A_969] : memref<1000xf32, #tpu.memory_space<smem>>
      %broadcast_in_dim3A_971 = vector.broadcast %get3A_970 : f32 to vector<1x128xf32>
      %select_n3A_972 = arith.select %eq3A_968, %broadcast_in_dim3A_971, %select_n3A_956 : vector<1x128xi1>, vector<1x128xf32>
      %eq3A_973 = arith.constant 59 : i32
      %eq3A_974 = vector.broadcast %eq3A_973 : i32 to vector<1x128xi32>
      %eq3A_975 = arith.cmpi eq, %iota3A, %eq3A_974 : vector<1x128xi32>
      %get3A_976 = arith.index_cast %get3A_965 : i32 to index
      %get3A_977 = memref.load %arg3[%get3A_976] : memref<1000xf32, #tpu.memory_space<smem>>
      %broadcast_in_dim3A_978 = vector.broadcast %get3A_977 : f32 to vector<1x128xf32>
      %select_n3A_979 = arith.select %eq3A_975, %broadcast_in_dim3A_978, %select_n3A_963 : vector<1x128xi1>, vector<1x128xf32>
      %get3A_980 = arith.constant 60 : index
      %get3A_981 = memref.load %arg1[%get3A_980] : memref<128xi32, #tpu.memory_space<smem>>
      %eq3A_982 = arith.constant 60 : i32
      %eq3A_983 = vector.broadcast %eq3A_982 : i32 to vector<1x128xi32>
      %eq3A_984 = arith.cmpi eq, %iota3A, %eq3A_983 : vector<1x128xi32>
      %get3A_985 = arith.index_cast %get3A_981 : i32 to index
      %get3A_986 = memref.load %arg2[%get3A_985] : memref<1000xf32, #tpu.memory_space<smem>>
      %broadcast_in_dim3A_987 = vector.broadcast %get3A_986 : f32 to vector<1x128xf32>
      %select_n3A_988 = arith.select %eq3A_984, %broadcast_in_dim3A_987, %select_n3A_972 : vector<1x128xi1>, vector<1x128xf32>
      %eq3A_989 = arith.constant 60 : i32
      %eq3A_990 = vector.broadcast %eq3A_989 : i32 to vector<1x128xi32>
      %eq3A_991 = arith.cmpi eq, %iota3A, %eq3A_990 : vector<1x128xi32>
      %get3A_992 = arith.index_cast %get3A_981 : i32 to index
      %get3A_993 = memref.load %arg3[%get3A_992] : memref<1000xf32, #tpu.memory_space<smem>>
      %broadcast_in_dim3A_994 = vector.broadcast %get3A_993 : f32 to vector<1x128xf32>
      %select_n3A_995 = arith.select %eq3A_991, %broadcast_in_dim3A_994, %select_n3A_979 : vector<1x128xi1>, vector<1x128xf32>
      %get3A_996 = arith.constant 61 : index
      %get3A_997 = memref.load %arg1[%get3A_996] : memref<128xi32, #tpu.memory_space<smem>>
      %eq3A_998 = arith.constant 61 : i32
      %eq3A_999 = vector.broadcast %eq3A_998 : i32 to vector<1x128xi32>
      %eq3A_1000 = arith.cmpi eq, %iota3A, %eq3A_999 : vector<1x128xi32>
      %get3A_1001 = arith.index_cast %get3A_997 : i32 to index
      %get3A_1002 = memref.load %arg2[%get3A_1001] : memref<1000xf32, #tpu.memory_space<smem>>
      %broadcast_in_dim3A_1003 = vector.broadcast %get3A_1002 : f32 to vector<1x128xf32>
      %select_n3A_1004 = arith.select %eq3A_1000, %broadcast_in_dim3A_1003, %select_n3A_988 : vector<1x128xi1>, vector<1x128xf32>
      %eq3A_1005 = arith.constant 61 : i32
      %eq3A_1006 = vector.broadcast %eq3A_1005 : i32 to vector<1x128xi32>
      %eq3A_1007 = arith.cmpi eq, %iota3A, %eq3A_1006 : vector<1x128xi32>
      %get3A_1008 = arith.index_cast %get3A_997 : i32 to index
      %get3A_1009 = memref.load %arg3[%get3A_1008] : memref<1000xf32, #tpu.memory_space<smem>>
      %broadcast_in_dim3A_1010 = vector.broadcast %get3A_1009 : f32 to vector<1x128xf32>
      %select_n3A_1011 = arith.select %eq3A_1007, %broadcast_in_dim3A_1010, %select_n3A_995 : vector<1x128xi1>, vector<1x128xf32>
      %get3A_1012 = arith.constant 62 : index
      %get3A_1013 = memref.load %arg1[%get3A_1012] : memref<128xi32, #tpu.memory_space<smem>>
      %eq3A_1014 = arith.constant 62 : i32
      %eq3A_1015 = vector.broadcast %eq3A_1014 : i32 to vector<1x128xi32>
      %eq3A_1016 = arith.cmpi eq, %iota3A, %eq3A_1015 : vector<1x128xi32>
      %get3A_1017 = arith.index_cast %get3A_1013 : i32 to index
      %get3A_1018 = memref.load %arg2[%get3A_1017] : memref<1000xf32, #tpu.memory_space<smem>>
      %broadcast_in_dim3A_1019 = vector.broadcast %get3A_1018 : f32 to vector<1x128xf32>
      %select_n3A_1020 = arith.select %eq3A_1016, %broadcast_in_dim3A_1019, %select_n3A_1004 : vector<1x128xi1>, vector<1x128xf32>
      %eq3A_1021 = arith.constant 62 : i32
      %eq3A_1022 = vector.broadcast %eq3A_1021 : i32 to vector<1x128xi32>
      %eq3A_1023 = arith.cmpi eq, %iota3A, %eq3A_1022 : vector<1x128xi32>
      %get3A_1024 = arith.index_cast %get3A_1013 : i32 to index
      %get3A_1025 = memref.load %arg3[%get3A_1024] : memref<1000xf32, #tpu.memory_space<smem>>
      %broadcast_in_dim3A_1026 = vector.broadcast %get3A_1025 : f32 to vector<1x128xf32>
      %select_n3A_1027 = arith.select %eq3A_1023, %broadcast_in_dim3A_1026, %select_n3A_1011 : vector<1x128xi1>, vector<1x128xf32>
      %get3A_1028 = arith.constant 63 : index
      %get3A_1029 = memref.load %arg1[%get3A_1028] : memref<128xi32, #tpu.memory_space<smem>>
      %eq3A_1030 = arith.constant 63 : i32
      %eq3A_1031 = vector.broadcast %eq3A_1030 : i32 to vector<1x128xi32>
      %eq3A_1032 = arith.cmpi eq, %iota3A, %eq3A_1031 : vector<1x128xi32>
      %get3A_1033 = arith.index_cast %get3A_1029 : i32 to index
      %get3A_1034 = memref.load %arg2[%get3A_1033] : memref<1000xf32, #tpu.memory_space<smem>>
      %broadcast_in_dim3A_1035 = vector.broadcast %get3A_1034 : f32 to vector<1x128xf32>
      %select_n3A_1036 = arith.select %eq3A_1032, %broadcast_in_dim3A_1035, %select_n3A_1020 : vector<1x128xi1>, vector<1x128xf32>
      %eq3A_1037 = arith.constant 63 : i32
      %eq3A_1038 = vector.broadcast %eq3A_1037 : i32 to vector<1x128xi32>
      %eq3A_1039 = arith.cmpi eq, %iota3A, %eq3A_1038 : vector<1x128xi32>
      %get3A_1040 = arith.index_cast %get3A_1029 : i32 to index
      %get3A_1041 = memref.load %arg3[%get3A_1040] : memref<1000xf32, #tpu.memory_space<smem>>
      %broadcast_in_dim3A_1042 = vector.broadcast %get3A_1041 : f32 to vector<1x128xf32>
      %select_n3A_1043 = arith.select %eq3A_1039, %broadcast_in_dim3A_1042, %select_n3A_1027 : vector<1x128xi1>, vector<1x128xf32>
      %get3A_1044 = arith.constant 64 : index
      %get3A_1045 = memref.load %arg1[%get3A_1044] : memref<128xi32, #tpu.memory_space<smem>>
      %eq3A_1046 = arith.constant 64 : i32
      %eq3A_1047 = vector.broadcast %eq3A_1046 : i32 to vector<1x128xi32>
      %eq3A_1048 = arith.cmpi eq, %iota3A, %eq3A_1047 : vector<1x128xi32>
      %get3A_1049 = arith.index_cast %get3A_1045 : i32 to index
      %get3A_1050 = memref.load %arg2[%get3A_1049] : memref<1000xf32, #tpu.memory_space<smem>>
      %broadcast_in_dim3A_1051 = vector.broadcast %get3A_1050 : f32 to vector<1x128xf32>
      %select_n3A_1052 = arith.select %eq3A_1048, %broadcast_in_dim3A_1051, %select_n3A_1036 : vector<1x128xi1>, vector<1x128xf32>
      %eq3A_1053 = arith.constant 64 : i32
      %eq3A_1054 = vector.broadcast %eq3A_1053 : i32 to vector<1x128xi32>
      %eq3A_1055 = arith.cmpi eq, %iota3A, %eq3A_1054 : vector<1x128xi32>
      %get3A_1056 = arith.index_cast %get3A_1045 : i32 to index
      %get3A_1057 = memref.load %arg3[%get3A_1056] : memref<1000xf32, #tpu.memory_space<smem>>
      %broadcast_in_dim3A_1058 = vector.broadcast %get3A_1057 : f32 to vector<1x128xf32>
      %select_n3A_1059 = arith.select %eq3A_1055, %broadcast_in_dim3A_1058, %select_n3A_1043 : vector<1x128xi1>, vector<1x128xf32>
      %get3A_1060 = arith.constant 65 : index
      %get3A_1061 = memref.load %arg1[%get3A_1060] : memref<128xi32, #tpu.memory_space<smem>>
      %eq3A_1062 = arith.constant 65 : i32
      %eq3A_1063 = vector.broadcast %eq3A_1062 : i32 to vector<1x128xi32>
      %eq3A_1064 = arith.cmpi eq, %iota3A, %eq3A_1063 : vector<1x128xi32>
      %get3A_1065 = arith.index_cast %get3A_1061 : i32 to index
      %get3A_1066 = memref.load %arg2[%get3A_1065] : memref<1000xf32, #tpu.memory_space<smem>>
      %broadcast_in_dim3A_1067 = vector.broadcast %get3A_1066 : f32 to vector<1x128xf32>
      %select_n3A_1068 = arith.select %eq3A_1064, %broadcast_in_dim3A_1067, %select_n3A_1052 : vector<1x128xi1>, vector<1x128xf32>
      %eq3A_1069 = arith.constant 65 : i32
      %eq3A_1070 = vector.broadcast %eq3A_1069 : i32 to vector<1x128xi32>
      %eq3A_1071 = arith.cmpi eq, %iota3A, %eq3A_1070 : vector<1x128xi32>
      %get3A_1072 = arith.index_cast %get3A_1061 : i32 to index
      %get3A_1073 = memref.load %arg3[%get3A_1072] : memref<1000xf32, #tpu.memory_space<smem>>
      %broadcast_in_dim3A_1074 = vector.broadcast %get3A_1073 : f32 to vector<1x128xf32>
      %select_n3A_1075 = arith.select %eq3A_1071, %broadcast_in_dim3A_1074, %select_n3A_1059 : vector<1x128xi1>, vector<1x128xf32>
      %get3A_1076 = arith.constant 66 : index
      %get3A_1077 = memref.load %arg1[%get3A_1076] : memref<128xi32, #tpu.memory_space<smem>>
      %eq3A_1078 = arith.constant 66 : i32
      %eq3A_1079 = vector.broadcast %eq3A_1078 : i32 to vector<1x128xi32>
      %eq3A_1080 = arith.cmpi eq, %iota3A, %eq3A_1079 : vector<1x128xi32>
      %get3A_1081 = arith.index_cast %get3A_1077 : i32 to index
      %get3A_1082 = memref.load %arg2[%get3A_1081] : memref<1000xf32, #tpu.memory_space<smem>>
      %broadcast_in_dim3A_1083 = vector.broadcast %get3A_1082 : f32 to vector<1x128xf32>
      %select_n3A_1084 = arith.select %eq3A_1080, %broadcast_in_dim3A_1083, %select_n3A_1068 : vector<1x128xi1>, vector<1x128xf32>
      %eq3A_1085 = arith.constant 66 : i32
      %eq3A_1086 = vector.broadcast %eq3A_1085 : i32 to vector<1x128xi32>
      %eq3A_1087 = arith.cmpi eq, %iota3A, %eq3A_1086 : vector<1x128xi32>
      %get3A_1088 = arith.index_cast %get3A_1077 : i32 to index
      %get3A_1089 = memref.load %arg3[%get3A_1088] : memref<1000xf32, #tpu.memory_space<smem>>
      %broadcast_in_dim3A_1090 = vector.broadcast %get3A_1089 : f32 to vector<1x128xf32>
      %select_n3A_1091 = arith.select %eq3A_1087, %broadcast_in_dim3A_1090, %select_n3A_1075 : vector<1x128xi1>, vector<1x128xf32>
      %get3A_1092 = arith.constant 67 : index
      %get3A_1093 = memref.load %arg1[%get3A_1092] : memref<128xi32, #tpu.memory_space<smem>>
      %eq3A_1094 = arith.constant 67 : i32
      %eq3A_1095 = vector.broadcast %eq3A_1094 : i32 to vector<1x128xi32>
      %eq3A_1096 = arith.cmpi eq, %iota3A, %eq3A_1095 : vector<1x128xi32>
      %get3A_1097 = arith.index_cast %get3A_1093 : i32 to index
      %get3A_1098 = memref.load %arg2[%get3A_1097] : memref<1000xf32, #tpu.memory_space<smem>>
      %broadcast_in_dim3A_1099 = vector.broadcast %get3A_1098 : f32 to vector<1x128xf32>
      %select_n3A_1100 = arith.select %eq3A_1096, %broadcast_in_dim3A_1099, %select_n3A_1084 : vector<1x128xi1>, vector<1x128xf32>
      %eq3A_1101 = arith.constant 67 : i32
      %eq3A_1102 = vector.broadcast %eq3A_1101 : i32 to vector<1x128xi32>
      %eq3A_1103 = arith.cmpi eq, %iota3A, %eq3A_1102 : vector<1x128xi32>
      %get3A_1104 = arith.index_cast %get3A_1093 : i32 to index
      %get3A_1105 = memref.load %arg3[%get3A_1104] : memref<1000xf32, #tpu.memory_space<smem>>
      %broadcast_in_dim3A_1106 = vector.broadcast %get3A_1105 : f32 to vector<1x128xf32>
      %select_n3A_1107 = arith.select %eq3A_1103, %broadcast_in_dim3A_1106, %select_n3A_1091 : vector<1x128xi1>, vector<1x128xf32>
      %get3A_1108 = arith.constant 68 : index
      %get3A_1109 = memref.load %arg1[%get3A_1108] : memref<128xi32, #tpu.memory_space<smem>>
      %eq3A_1110 = arith.constant 68 : i32
      %eq3A_1111 = vector.broadcast %eq3A_1110 : i32 to vector<1x128xi32>
      %eq3A_1112 = arith.cmpi eq, %iota3A, %eq3A_1111 : vector<1x128xi32>
      %get3A_1113 = arith.index_cast %get3A_1109 : i32 to index
      %get3A_1114 = memref.load %arg2[%get3A_1113] : memref<1000xf32, #tpu.memory_space<smem>>
      %broadcast_in_dim3A_1115 = vector.broadcast %get3A_1114 : f32 to vector<1x128xf32>
      %select_n3A_1116 = arith.select %eq3A_1112, %broadcast_in_dim3A_1115, %select_n3A_1100 : vector<1x128xi1>, vector<1x128xf32>
      %eq3A_1117 = arith.constant 68 : i32
      %eq3A_1118 = vector.broadcast %eq3A_1117 : i32 to vector<1x128xi32>
      %eq3A_1119 = arith.cmpi eq, %iota3A, %eq3A_1118 : vector<1x128xi32>
      %get3A_1120 = arith.index_cast %get3A_1109 : i32 to index
      %get3A_1121 = memref.load %arg3[%get3A_1120] : memref<1000xf32, #tpu.memory_space<smem>>
      %broadcast_in_dim3A_1122 = vector.broadcast %get3A_1121 : f32 to vector<1x128xf32>
      %select_n3A_1123 = arith.select %eq3A_1119, %broadcast_in_dim3A_1122, %select_n3A_1107 : vector<1x128xi1>, vector<1x128xf32>
      %get3A_1124 = arith.constant 69 : index
      %get3A_1125 = memref.load %arg1[%get3A_1124] : memref<128xi32, #tpu.memory_space<smem>>
      %eq3A_1126 = arith.constant 69 : i32
      %eq3A_1127 = vector.broadcast %eq3A_1126 : i32 to vector<1x128xi32>
      %eq3A_1128 = arith.cmpi eq, %iota3A, %eq3A_1127 : vector<1x128xi32>
      %get3A_1129 = arith.index_cast %get3A_1125 : i32 to index
      %get3A_1130 = memref.load %arg2[%get3A_1129] : memref<1000xf32, #tpu.memory_space<smem>>
      %broadcast_in_dim3A_1131 = vector.broadcast %get3A_1130 : f32 to vector<1x128xf32>
      %select_n3A_1132 = arith.select %eq3A_1128, %broadcast_in_dim3A_1131, %select_n3A_1116 : vector<1x128xi1>, vector<1x128xf32>
      %eq3A_1133 = arith.constant 69 : i32
      %eq3A_1134 = vector.broadcast %eq3A_1133 : i32 to vector<1x128xi32>
      %eq3A_1135 = arith.cmpi eq, %iota3A, %eq3A_1134 : vector<1x128xi32>
      %get3A_1136 = arith.index_cast %get3A_1125 : i32 to index
      %get3A_1137 = memref.load %arg3[%get3A_1136] : memref<1000xf32, #tpu.memory_space<smem>>
      %broadcast_in_dim3A_1138 = vector.broadcast %get3A_1137 : f32 to vector<1x128xf32>
      %select_n3A_1139 = arith.select %eq3A_1135, %broadcast_in_dim3A_1138, %select_n3A_1123 : vector<1x128xi1>, vector<1x128xf32>
      %get3A_1140 = arith.constant 70 : index
      %get3A_1141 = memref.load %arg1[%get3A_1140] : memref<128xi32, #tpu.memory_space<smem>>
      %eq3A_1142 = arith.constant 70 : i32
      %eq3A_1143 = vector.broadcast %eq3A_1142 : i32 to vector<1x128xi32>
      %eq3A_1144 = arith.cmpi eq, %iota3A, %eq3A_1143 : vector<1x128xi32>
      %get3A_1145 = arith.index_cast %get3A_1141 : i32 to index
      %get3A_1146 = memref.load %arg2[%get3A_1145] : memref<1000xf32, #tpu.memory_space<smem>>
      %broadcast_in_dim3A_1147 = vector.broadcast %get3A_1146 : f32 to vector<1x128xf32>
      %select_n3A_1148 = arith.select %eq3A_1144, %broadcast_in_dim3A_1147, %select_n3A_1132 : vector<1x128xi1>, vector<1x128xf32>
      %eq3A_1149 = arith.constant 70 : i32
      %eq3A_1150 = vector.broadcast %eq3A_1149 : i32 to vector<1x128xi32>
      %eq3A_1151 = arith.cmpi eq, %iota3A, %eq3A_1150 : vector<1x128xi32>
      %get3A_1152 = arith.index_cast %get3A_1141 : i32 to index
      %get3A_1153 = memref.load %arg3[%get3A_1152] : memref<1000xf32, #tpu.memory_space<smem>>
      %broadcast_in_dim3A_1154 = vector.broadcast %get3A_1153 : f32 to vector<1x128xf32>
      %select_n3A_1155 = arith.select %eq3A_1151, %broadcast_in_dim3A_1154, %select_n3A_1139 : vector<1x128xi1>, vector<1x128xf32>
      %get3A_1156 = arith.constant 71 : index
      %get3A_1157 = memref.load %arg1[%get3A_1156] : memref<128xi32, #tpu.memory_space<smem>>
      %eq3A_1158 = arith.constant 71 : i32
      %eq3A_1159 = vector.broadcast %eq3A_1158 : i32 to vector<1x128xi32>
      %eq3A_1160 = arith.cmpi eq, %iota3A, %eq3A_1159 : vector<1x128xi32>
      %get3A_1161 = arith.index_cast %get3A_1157 : i32 to index
      %get3A_1162 = memref.load %arg2[%get3A_1161] : memref<1000xf32, #tpu.memory_space<smem>>
      %broadcast_in_dim3A_1163 = vector.broadcast %get3A_1162 : f32 to vector<1x128xf32>
      %select_n3A_1164 = arith.select %eq3A_1160, %broadcast_in_dim3A_1163, %select_n3A_1148 : vector<1x128xi1>, vector<1x128xf32>
      %eq3A_1165 = arith.constant 71 : i32
      %eq3A_1166 = vector.broadcast %eq3A_1165 : i32 to vector<1x128xi32>
      %eq3A_1167 = arith.cmpi eq, %iota3A, %eq3A_1166 : vector<1x128xi32>
      %get3A_1168 = arith.index_cast %get3A_1157 : i32 to index
      %get3A_1169 = memref.load %arg3[%get3A_1168] : memref<1000xf32, #tpu.memory_space<smem>>
      %broadcast_in_dim3A_1170 = vector.broadcast %get3A_1169 : f32 to vector<1x128xf32>
      %select_n3A_1171 = arith.select %eq3A_1167, %broadcast_in_dim3A_1170, %select_n3A_1155 : vector<1x128xi1>, vector<1x128xf32>
      %get3A_1172 = arith.constant 72 : index
      %get3A_1173 = memref.load %arg1[%get3A_1172] : memref<128xi32, #tpu.memory_space<smem>>
      %eq3A_1174 = arith.constant 72 : i32
      %eq3A_1175 = vector.broadcast %eq3A_1174 : i32 to vector<1x128xi32>
      %eq3A_1176 = arith.cmpi eq, %iota3A, %eq3A_1175 : vector<1x128xi32>
      %get3A_1177 = arith.index_cast %get3A_1173 : i32 to index
      %get3A_1178 = memref.load %arg2[%get3A_1177] : memref<1000xf32, #tpu.memory_space<smem>>
      %broadcast_in_dim3A_1179 = vector.broadcast %get3A_1178 : f32 to vector<1x128xf32>
      %select_n3A_1180 = arith.select %eq3A_1176, %broadcast_in_dim3A_1179, %select_n3A_1164 : vector<1x128xi1>, vector<1x128xf32>
      %eq3A_1181 = arith.constant 72 : i32
      %eq3A_1182 = vector.broadcast %eq3A_1181 : i32 to vector<1x128xi32>
      %eq3A_1183 = arith.cmpi eq, %iota3A, %eq3A_1182 : vector<1x128xi32>
      %get3A_1184 = arith.index_cast %get3A_1173 : i32 to index
      %get3A_1185 = memref.load %arg3[%get3A_1184] : memref<1000xf32, #tpu.memory_space<smem>>
      %broadcast_in_dim3A_1186 = vector.broadcast %get3A_1185 : f32 to vector<1x128xf32>
      %select_n3A_1187 = arith.select %eq3A_1183, %broadcast_in_dim3A_1186, %select_n3A_1171 : vector<1x128xi1>, vector<1x128xf32>
      %get3A_1188 = arith.constant 73 : index
      %get3A_1189 = memref.load %arg1[%get3A_1188] : memref<128xi32, #tpu.memory_space<smem>>
      %eq3A_1190 = arith.constant 73 : i32
      %eq3A_1191 = vector.broadcast %eq3A_1190 : i32 to vector<1x128xi32>
      %eq3A_1192 = arith.cmpi eq, %iota3A, %eq3A_1191 : vector<1x128xi32>
      %get3A_1193 = arith.index_cast %get3A_1189 : i32 to index
      %get3A_1194 = memref.load %arg2[%get3A_1193] : memref<1000xf32, #tpu.memory_space<smem>>
      %broadcast_in_dim3A_1195 = vector.broadcast %get3A_1194 : f32 to vector<1x128xf32>
      %select_n3A_1196 = arith.select %eq3A_1192, %broadcast_in_dim3A_1195, %select_n3A_1180 : vector<1x128xi1>, vector<1x128xf32>
      %eq3A_1197 = arith.constant 73 : i32
      %eq3A_1198 = vector.broadcast %eq3A_1197 : i32 to vector<1x128xi32>
      %eq3A_1199 = arith.cmpi eq, %iota3A, %eq3A_1198 : vector<1x128xi32>
      %get3A_1200 = arith.index_cast %get3A_1189 : i32 to index
      %get3A_1201 = memref.load %arg3[%get3A_1200] : memref<1000xf32, #tpu.memory_space<smem>>
      %broadcast_in_dim3A_1202 = vector.broadcast %get3A_1201 : f32 to vector<1x128xf32>
      %select_n3A_1203 = arith.select %eq3A_1199, %broadcast_in_dim3A_1202, %select_n3A_1187 : vector<1x128xi1>, vector<1x128xf32>
      %get3A_1204 = arith.constant 74 : index
      %get3A_1205 = memref.load %arg1[%get3A_1204] : memref<128xi32, #tpu.memory_space<smem>>
      %eq3A_1206 = arith.constant 74 : i32
      %eq3A_1207 = vector.broadcast %eq3A_1206 : i32 to vector<1x128xi32>
      %eq3A_1208 = arith.cmpi eq, %iota3A, %eq3A_1207 : vector<1x128xi32>
      %get3A_1209 = arith.index_cast %get3A_1205 : i32 to index
      %get3A_1210 = memref.load %arg2[%get3A_1209] : memref<1000xf32, #tpu.memory_space<smem>>
      %broadcast_in_dim3A_1211 = vector.broadcast %get3A_1210 : f32 to vector<1x128xf32>
      %select_n3A_1212 = arith.select %eq3A_1208, %broadcast_in_dim3A_1211, %select_n3A_1196 : vector<1x128xi1>, vector<1x128xf32>
      %eq3A_1213 = arith.constant 74 : i32
      %eq3A_1214 = vector.broadcast %eq3A_1213 : i32 to vector<1x128xi32>
      %eq3A_1215 = arith.cmpi eq, %iota3A, %eq3A_1214 : vector<1x128xi32>
      %get3A_1216 = arith.index_cast %get3A_1205 : i32 to index
      %get3A_1217 = memref.load %arg3[%get3A_1216] : memref<1000xf32, #tpu.memory_space<smem>>
      %broadcast_in_dim3A_1218 = vector.broadcast %get3A_1217 : f32 to vector<1x128xf32>
      %select_n3A_1219 = arith.select %eq3A_1215, %broadcast_in_dim3A_1218, %select_n3A_1203 : vector<1x128xi1>, vector<1x128xf32>
      %get3A_1220 = arith.constant 75 : index
      %get3A_1221 = memref.load %arg1[%get3A_1220] : memref<128xi32, #tpu.memory_space<smem>>
      %eq3A_1222 = arith.constant 75 : i32
      %eq3A_1223 = vector.broadcast %eq3A_1222 : i32 to vector<1x128xi32>
      %eq3A_1224 = arith.cmpi eq, %iota3A, %eq3A_1223 : vector<1x128xi32>
      %get3A_1225 = arith.index_cast %get3A_1221 : i32 to index
      %get3A_1226 = memref.load %arg2[%get3A_1225] : memref<1000xf32, #tpu.memory_space<smem>>
      %broadcast_in_dim3A_1227 = vector.broadcast %get3A_1226 : f32 to vector<1x128xf32>
      %select_n3A_1228 = arith.select %eq3A_1224, %broadcast_in_dim3A_1227, %select_n3A_1212 : vector<1x128xi1>, vector<1x128xf32>
      %eq3A_1229 = arith.constant 75 : i32
      %eq3A_1230 = vector.broadcast %eq3A_1229 : i32 to vector<1x128xi32>
      %eq3A_1231 = arith.cmpi eq, %iota3A, %eq3A_1230 : vector<1x128xi32>
      %get3A_1232 = arith.index_cast %get3A_1221 : i32 to index
      %get3A_1233 = memref.load %arg3[%get3A_1232] : memref<1000xf32, #tpu.memory_space<smem>>
      %broadcast_in_dim3A_1234 = vector.broadcast %get3A_1233 : f32 to vector<1x128xf32>
      %select_n3A_1235 = arith.select %eq3A_1231, %broadcast_in_dim3A_1234, %select_n3A_1219 : vector<1x128xi1>, vector<1x128xf32>
      %get3A_1236 = arith.constant 76 : index
      %get3A_1237 = memref.load %arg1[%get3A_1236] : memref<128xi32, #tpu.memory_space<smem>>
      %eq3A_1238 = arith.constant 76 : i32
      %eq3A_1239 = vector.broadcast %eq3A_1238 : i32 to vector<1x128xi32>
      %eq3A_1240 = arith.cmpi eq, %iota3A, %eq3A_1239 : vector<1x128xi32>
      %get3A_1241 = arith.index_cast %get3A_1237 : i32 to index
      %get3A_1242 = memref.load %arg2[%get3A_1241] : memref<1000xf32, #tpu.memory_space<smem>>
      %broadcast_in_dim3A_1243 = vector.broadcast %get3A_1242 : f32 to vector<1x128xf32>
      %select_n3A_1244 = arith.select %eq3A_1240, %broadcast_in_dim3A_1243, %select_n3A_1228 : vector<1x128xi1>, vector<1x128xf32>
      %eq3A_1245 = arith.constant 76 : i32
      %eq3A_1246 = vector.broadcast %eq3A_1245 : i32 to vector<1x128xi32>
      %eq3A_1247 = arith.cmpi eq, %iota3A, %eq3A_1246 : vector<1x128xi32>
      %get3A_1248 = arith.index_cast %get3A_1237 : i32 to index
      %get3A_1249 = memref.load %arg3[%get3A_1248] : memref<1000xf32, #tpu.memory_space<smem>>
      %broadcast_in_dim3A_1250 = vector.broadcast %get3A_1249 : f32 to vector<1x128xf32>
      %select_n3A_1251 = arith.select %eq3A_1247, %broadcast_in_dim3A_1250, %select_n3A_1235 : vector<1x128xi1>, vector<1x128xf32>
      %get3A_1252 = arith.constant 77 : index
      %get3A_1253 = memref.load %arg1[%get3A_1252] : memref<128xi32, #tpu.memory_space<smem>>
      %eq3A_1254 = arith.constant 77 : i32
      %eq3A_1255 = vector.broadcast %eq3A_1254 : i32 to vector<1x128xi32>
      %eq3A_1256 = arith.cmpi eq, %iota3A, %eq3A_1255 : vector<1x128xi32>
      %get3A_1257 = arith.index_cast %get3A_1253 : i32 to index
      %get3A_1258 = memref.load %arg2[%get3A_1257] : memref<1000xf32, #tpu.memory_space<smem>>
      %broadcast_in_dim3A_1259 = vector.broadcast %get3A_1258 : f32 to vector<1x128xf32>
      %select_n3A_1260 = arith.select %eq3A_1256, %broadcast_in_dim3A_1259, %select_n3A_1244 : vector<1x128xi1>, vector<1x128xf32>
      %eq3A_1261 = arith.constant 77 : i32
      %eq3A_1262 = vector.broadcast %eq3A_1261 : i32 to vector<1x128xi32>
      %eq3A_1263 = arith.cmpi eq, %iota3A, %eq3A_1262 : vector<1x128xi32>
      %get3A_1264 = arith.index_cast %get3A_1253 : i32 to index
      %get3A_1265 = memref.load %arg3[%get3A_1264] : memref<1000xf32, #tpu.memory_space<smem>>
      %broadcast_in_dim3A_1266 = vector.broadcast %get3A_1265 : f32 to vector<1x128xf32>
      %select_n3A_1267 = arith.select %eq3A_1263, %broadcast_in_dim3A_1266, %select_n3A_1251 : vector<1x128xi1>, vector<1x128xf32>
      %get3A_1268 = arith.constant 78 : index
      %get3A_1269 = memref.load %arg1[%get3A_1268] : memref<128xi32, #tpu.memory_space<smem>>
      %eq3A_1270 = arith.constant 78 : i32
      %eq3A_1271 = vector.broadcast %eq3A_1270 : i32 to vector<1x128xi32>
      %eq3A_1272 = arith.cmpi eq, %iota3A, %eq3A_1271 : vector<1x128xi32>
      %get3A_1273 = arith.index_cast %get3A_1269 : i32 to index
      %get3A_1274 = memref.load %arg2[%get3A_1273] : memref<1000xf32, #tpu.memory_space<smem>>
      %broadcast_in_dim3A_1275 = vector.broadcast %get3A_1274 : f32 to vector<1x128xf32>
      %select_n3A_1276 = arith.select %eq3A_1272, %broadcast_in_dim3A_1275, %select_n3A_1260 : vector<1x128xi1>, vector<1x128xf32>
      %eq3A_1277 = arith.constant 78 : i32
      %eq3A_1278 = vector.broadcast %eq3A_1277 : i32 to vector<1x128xi32>
      %eq3A_1279 = arith.cmpi eq, %iota3A, %eq3A_1278 : vector<1x128xi32>
      %get3A_1280 = arith.index_cast %get3A_1269 : i32 to index
      %get3A_1281 = memref.load %arg3[%get3A_1280] : memref<1000xf32, #tpu.memory_space<smem>>
      %broadcast_in_dim3A_1282 = vector.broadcast %get3A_1281 : f32 to vector<1x128xf32>
      %select_n3A_1283 = arith.select %eq3A_1279, %broadcast_in_dim3A_1282, %select_n3A_1267 : vector<1x128xi1>, vector<1x128xf32>
      %get3A_1284 = arith.constant 79 : index
      %get3A_1285 = memref.load %arg1[%get3A_1284] : memref<128xi32, #tpu.memory_space<smem>>
      %eq3A_1286 = arith.constant 79 : i32
      %eq3A_1287 = vector.broadcast %eq3A_1286 : i32 to vector<1x128xi32>
      %eq3A_1288 = arith.cmpi eq, %iota3A, %eq3A_1287 : vector<1x128xi32>
      %get3A_1289 = arith.index_cast %get3A_1285 : i32 to index
      %get3A_1290 = memref.load %arg2[%get3A_1289] : memref<1000xf32, #tpu.memory_space<smem>>
      %broadcast_in_dim3A_1291 = vector.broadcast %get3A_1290 : f32 to vector<1x128xf32>
      %select_n3A_1292 = arith.select %eq3A_1288, %broadcast_in_dim3A_1291, %select_n3A_1276 : vector<1x128xi1>, vector<1x128xf32>
      %eq3A_1293 = arith.constant 79 : i32
      %eq3A_1294 = vector.broadcast %eq3A_1293 : i32 to vector<1x128xi32>
      %eq3A_1295 = arith.cmpi eq, %iota3A, %eq3A_1294 : vector<1x128xi32>
      %get3A_1296 = arith.index_cast %get3A_1285 : i32 to index
      %get3A_1297 = memref.load %arg3[%get3A_1296] : memref<1000xf32, #tpu.memory_space<smem>>
      %broadcast_in_dim3A_1298 = vector.broadcast %get3A_1297 : f32 to vector<1x128xf32>
      %select_n3A_1299 = arith.select %eq3A_1295, %broadcast_in_dim3A_1298, %select_n3A_1283 : vector<1x128xi1>, vector<1x128xf32>
      %get3A_1300 = arith.constant 80 : index
      %get3A_1301 = memref.load %arg1[%get3A_1300] : memref<128xi32, #tpu.memory_space<smem>>
      %eq3A_1302 = arith.constant 80 : i32
      %eq3A_1303 = vector.broadcast %eq3A_1302 : i32 to vector<1x128xi32>
      %eq3A_1304 = arith.cmpi eq, %iota3A, %eq3A_1303 : vector<1x128xi32>
      %get3A_1305 = arith.index_cast %get3A_1301 : i32 to index
      %get3A_1306 = memref.load %arg2[%get3A_1305] : memref<1000xf32, #tpu.memory_space<smem>>
      %broadcast_in_dim3A_1307 = vector.broadcast %get3A_1306 : f32 to vector<1x128xf32>
      %select_n3A_1308 = arith.select %eq3A_1304, %broadcast_in_dim3A_1307, %select_n3A_1292 : vector<1x128xi1>, vector<1x128xf32>
      %eq3A_1309 = arith.constant 80 : i32
      %eq3A_1310 = vector.broadcast %eq3A_1309 : i32 to vector<1x128xi32>
      %eq3A_1311 = arith.cmpi eq, %iota3A, %eq3A_1310 : vector<1x128xi32>
      %get3A_1312 = arith.index_cast %get3A_1301 : i32 to index
      %get3A_1313 = memref.load %arg3[%get3A_1312] : memref<1000xf32, #tpu.memory_space<smem>>
      %broadcast_in_dim3A_1314 = vector.broadcast %get3A_1313 : f32 to vector<1x128xf32>
      %select_n3A_1315 = arith.select %eq3A_1311, %broadcast_in_dim3A_1314, %select_n3A_1299 : vector<1x128xi1>, vector<1x128xf32>
      %get3A_1316 = arith.constant 81 : index
      %get3A_1317 = memref.load %arg1[%get3A_1316] : memref<128xi32, #tpu.memory_space<smem>>
      %eq3A_1318 = arith.constant 81 : i32
      %eq3A_1319 = vector.broadcast %eq3A_1318 : i32 to vector<1x128xi32>
      %eq3A_1320 = arith.cmpi eq, %iota3A, %eq3A_1319 : vector<1x128xi32>
      %get3A_1321 = arith.index_cast %get3A_1317 : i32 to index
      %get3A_1322 = memref.load %arg2[%get3A_1321] : memref<1000xf32, #tpu.memory_space<smem>>
      %broadcast_in_dim3A_1323 = vector.broadcast %get3A_1322 : f32 to vector<1x128xf32>
      %select_n3A_1324 = arith.select %eq3A_1320, %broadcast_in_dim3A_1323, %select_n3A_1308 : vector<1x128xi1>, vector<1x128xf32>
      %eq3A_1325 = arith.constant 81 : i32
      %eq3A_1326 = vector.broadcast %eq3A_1325 : i32 to vector<1x128xi32>
      %eq3A_1327 = arith.cmpi eq, %iota3A, %eq3A_1326 : vector<1x128xi32>
      %get3A_1328 = arith.index_cast %get3A_1317 : i32 to index
      %get3A_1329 = memref.load %arg3[%get3A_1328] : memref<1000xf32, #tpu.memory_space<smem>>
      %broadcast_in_dim3A_1330 = vector.broadcast %get3A_1329 : f32 to vector<1x128xf32>
      %select_n3A_1331 = arith.select %eq3A_1327, %broadcast_in_dim3A_1330, %select_n3A_1315 : vector<1x128xi1>, vector<1x128xf32>
      %get3A_1332 = arith.constant 82 : index
      %get3A_1333 = memref.load %arg1[%get3A_1332] : memref<128xi32, #tpu.memory_space<smem>>
      %eq3A_1334 = arith.constant 82 : i32
      %eq3A_1335 = vector.broadcast %eq3A_1334 : i32 to vector<1x128xi32>
      %eq3A_1336 = arith.cmpi eq, %iota3A, %eq3A_1335 : vector<1x128xi32>
      %get3A_1337 = arith.index_cast %get3A_1333 : i32 to index
      %get3A_1338 = memref.load %arg2[%get3A_1337] : memref<1000xf32, #tpu.memory_space<smem>>
      %broadcast_in_dim3A_1339 = vector.broadcast %get3A_1338 : f32 to vector<1x128xf32>
      %select_n3A_1340 = arith.select %eq3A_1336, %broadcast_in_dim3A_1339, %select_n3A_1324 : vector<1x128xi1>, vector<1x128xf32>
      %eq3A_1341 = arith.constant 82 : i32
      %eq3A_1342 = vector.broadcast %eq3A_1341 : i32 to vector<1x128xi32>
      %eq3A_1343 = arith.cmpi eq, %iota3A, %eq3A_1342 : vector<1x128xi32>
      %get3A_1344 = arith.index_cast %get3A_1333 : i32 to index
      %get3A_1345 = memref.load %arg3[%get3A_1344] : memref<1000xf32, #tpu.memory_space<smem>>
      %broadcast_in_dim3A_1346 = vector.broadcast %get3A_1345 : f32 to vector<1x128xf32>
      %select_n3A_1347 = arith.select %eq3A_1343, %broadcast_in_dim3A_1346, %select_n3A_1331 : vector<1x128xi1>, vector<1x128xf32>
      %get3A_1348 = arith.constant 83 : index
      %get3A_1349 = memref.load %arg1[%get3A_1348] : memref<128xi32, #tpu.memory_space<smem>>
      %eq3A_1350 = arith.constant 83 : i32
      %eq3A_1351 = vector.broadcast %eq3A_1350 : i32 to vector<1x128xi32>
      %eq3A_1352 = arith.cmpi eq, %iota3A, %eq3A_1351 : vector<1x128xi32>
      %get3A_1353 = arith.index_cast %get3A_1349 : i32 to index
      %get3A_1354 = memref.load %arg2[%get3A_1353] : memref<1000xf32, #tpu.memory_space<smem>>
      %broadcast_in_dim3A_1355 = vector.broadcast %get3A_1354 : f32 to vector<1x128xf32>
      %select_n3A_1356 = arith.select %eq3A_1352, %broadcast_in_dim3A_1355, %select_n3A_1340 : vector<1x128xi1>, vector<1x128xf32>
      %eq3A_1357 = arith.constant 83 : i32
      %eq3A_1358 = vector.broadcast %eq3A_1357 : i32 to vector<1x128xi32>
      %eq3A_1359 = arith.cmpi eq, %iota3A, %eq3A_1358 : vector<1x128xi32>
      %get3A_1360 = arith.index_cast %get3A_1349 : i32 to index
      %get3A_1361 = memref.load %arg3[%get3A_1360] : memref<1000xf32, #tpu.memory_space<smem>>
      %broadcast_in_dim3A_1362 = vector.broadcast %get3A_1361 : f32 to vector<1x128xf32>
      %select_n3A_1363 = arith.select %eq3A_1359, %broadcast_in_dim3A_1362, %select_n3A_1347 : vector<1x128xi1>, vector<1x128xf32>
      %get3A_1364 = arith.constant 84 : index
      %get3A_1365 = memref.load %arg1[%get3A_1364] : memref<128xi32, #tpu.memory_space<smem>>
      %eq3A_1366 = arith.constant 84 : i32
      %eq3A_1367 = vector.broadcast %eq3A_1366 : i32 to vector<1x128xi32>
      %eq3A_1368 = arith.cmpi eq, %iota3A, %eq3A_1367 : vector<1x128xi32>
      %get3A_1369 = arith.index_cast %get3A_1365 : i32 to index
      %get3A_1370 = memref.load %arg2[%get3A_1369] : memref<1000xf32, #tpu.memory_space<smem>>
      %broadcast_in_dim3A_1371 = vector.broadcast %get3A_1370 : f32 to vector<1x128xf32>
      %select_n3A_1372 = arith.select %eq3A_1368, %broadcast_in_dim3A_1371, %select_n3A_1356 : vector<1x128xi1>, vector<1x128xf32>
      %eq3A_1373 = arith.constant 84 : i32
      %eq3A_1374 = vector.broadcast %eq3A_1373 : i32 to vector<1x128xi32>
      %eq3A_1375 = arith.cmpi eq, %iota3A, %eq3A_1374 : vector<1x128xi32>
      %get3A_1376 = arith.index_cast %get3A_1365 : i32 to index
      %get3A_1377 = memref.load %arg3[%get3A_1376] : memref<1000xf32, #tpu.memory_space<smem>>
      %broadcast_in_dim3A_1378 = vector.broadcast %get3A_1377 : f32 to vector<1x128xf32>
      %select_n3A_1379 = arith.select %eq3A_1375, %broadcast_in_dim3A_1378, %select_n3A_1363 : vector<1x128xi1>, vector<1x128xf32>
      %get3A_1380 = arith.constant 85 : index
      %get3A_1381 = memref.load %arg1[%get3A_1380] : memref<128xi32, #tpu.memory_space<smem>>
      %eq3A_1382 = arith.constant 85 : i32
      %eq3A_1383 = vector.broadcast %eq3A_1382 : i32 to vector<1x128xi32>
      %eq3A_1384 = arith.cmpi eq, %iota3A, %eq3A_1383 : vector<1x128xi32>
      %get3A_1385 = arith.index_cast %get3A_1381 : i32 to index
      %get3A_1386 = memref.load %arg2[%get3A_1385] : memref<1000xf32, #tpu.memory_space<smem>>
      %broadcast_in_dim3A_1387 = vector.broadcast %get3A_1386 : f32 to vector<1x128xf32>
      %select_n3A_1388 = arith.select %eq3A_1384, %broadcast_in_dim3A_1387, %select_n3A_1372 : vector<1x128xi1>, vector<1x128xf32>
      %eq3A_1389 = arith.constant 85 : i32
      %eq3A_1390 = vector.broadcast %eq3A_1389 : i32 to vector<1x128xi32>
      %eq3A_1391 = arith.cmpi eq, %iota3A, %eq3A_1390 : vector<1x128xi32>
      %get3A_1392 = arith.index_cast %get3A_1381 : i32 to index
      %get3A_1393 = memref.load %arg3[%get3A_1392] : memref<1000xf32, #tpu.memory_space<smem>>
      %broadcast_in_dim3A_1394 = vector.broadcast %get3A_1393 : f32 to vector<1x128xf32>
      %select_n3A_1395 = arith.select %eq3A_1391, %broadcast_in_dim3A_1394, %select_n3A_1379 : vector<1x128xi1>, vector<1x128xf32>
      %get3A_1396 = arith.constant 86 : index
      %get3A_1397 = memref.load %arg1[%get3A_1396] : memref<128xi32, #tpu.memory_space<smem>>
      %eq3A_1398 = arith.constant 86 : i32
      %eq3A_1399 = vector.broadcast %eq3A_1398 : i32 to vector<1x128xi32>
      %eq3A_1400 = arith.cmpi eq, %iota3A, %eq3A_1399 : vector<1x128xi32>
      %get3A_1401 = arith.index_cast %get3A_1397 : i32 to index
      %get3A_1402 = memref.load %arg2[%get3A_1401] : memref<1000xf32, #tpu.memory_space<smem>>
      %broadcast_in_dim3A_1403 = vector.broadcast %get3A_1402 : f32 to vector<1x128xf32>
      %select_n3A_1404 = arith.select %eq3A_1400, %broadcast_in_dim3A_1403, %select_n3A_1388 : vector<1x128xi1>, vector<1x128xf32>
      %eq3A_1405 = arith.constant 86 : i32
      %eq3A_1406 = vector.broadcast %eq3A_1405 : i32 to vector<1x128xi32>
      %eq3A_1407 = arith.cmpi eq, %iota3A, %eq3A_1406 : vector<1x128xi32>
      %get3A_1408 = arith.index_cast %get3A_1397 : i32 to index
      %get3A_1409 = memref.load %arg3[%get3A_1408] : memref<1000xf32, #tpu.memory_space<smem>>
      %broadcast_in_dim3A_1410 = vector.broadcast %get3A_1409 : f32 to vector<1x128xf32>
      %select_n3A_1411 = arith.select %eq3A_1407, %broadcast_in_dim3A_1410, %select_n3A_1395 : vector<1x128xi1>, vector<1x128xf32>
      %get3A_1412 = arith.constant 87 : index
      %get3A_1413 = memref.load %arg1[%get3A_1412] : memref<128xi32, #tpu.memory_space<smem>>
      %eq3A_1414 = arith.constant 87 : i32
      %eq3A_1415 = vector.broadcast %eq3A_1414 : i32 to vector<1x128xi32>
      %eq3A_1416 = arith.cmpi eq, %iota3A, %eq3A_1415 : vector<1x128xi32>
      %get3A_1417 = arith.index_cast %get3A_1413 : i32 to index
      %get3A_1418 = memref.load %arg2[%get3A_1417] : memref<1000xf32, #tpu.memory_space<smem>>
      %broadcast_in_dim3A_1419 = vector.broadcast %get3A_1418 : f32 to vector<1x128xf32>
      %select_n3A_1420 = arith.select %eq3A_1416, %broadcast_in_dim3A_1419, %select_n3A_1404 : vector<1x128xi1>, vector<1x128xf32>
      %eq3A_1421 = arith.constant 87 : i32
      %eq3A_1422 = vector.broadcast %eq3A_1421 : i32 to vector<1x128xi32>
      %eq3A_1423 = arith.cmpi eq, %iota3A, %eq3A_1422 : vector<1x128xi32>
      %get3A_1424 = arith.index_cast %get3A_1413 : i32 to index
      %get3A_1425 = memref.load %arg3[%get3A_1424] : memref<1000xf32, #tpu.memory_space<smem>>
      %broadcast_in_dim3A_1426 = vector.broadcast %get3A_1425 : f32 to vector<1x128xf32>
      %select_n3A_1427 = arith.select %eq3A_1423, %broadcast_in_dim3A_1426, %select_n3A_1411 : vector<1x128xi1>, vector<1x128xf32>
      %get3A_1428 = arith.constant 88 : index
      %get3A_1429 = memref.load %arg1[%get3A_1428] : memref<128xi32, #tpu.memory_space<smem>>
      %eq3A_1430 = arith.constant 88 : i32
      %eq3A_1431 = vector.broadcast %eq3A_1430 : i32 to vector<1x128xi32>
      %eq3A_1432 = arith.cmpi eq, %iota3A, %eq3A_1431 : vector<1x128xi32>
      %get3A_1433 = arith.index_cast %get3A_1429 : i32 to index
      %get3A_1434 = memref.load %arg2[%get3A_1433] : memref<1000xf32, #tpu.memory_space<smem>>
      %broadcast_in_dim3A_1435 = vector.broadcast %get3A_1434 : f32 to vector<1x128xf32>
      %select_n3A_1436 = arith.select %eq3A_1432, %broadcast_in_dim3A_1435, %select_n3A_1420 : vector<1x128xi1>, vector<1x128xf32>
      %eq3A_1437 = arith.constant 88 : i32
      %eq3A_1438 = vector.broadcast %eq3A_1437 : i32 to vector<1x128xi32>
      %eq3A_1439 = arith.cmpi eq, %iota3A, %eq3A_1438 : vector<1x128xi32>
      %get3A_1440 = arith.index_cast %get3A_1429 : i32 to index
      %get3A_1441 = memref.load %arg3[%get3A_1440] : memref<1000xf32, #tpu.memory_space<smem>>
      %broadcast_in_dim3A_1442 = vector.broadcast %get3A_1441 : f32 to vector<1x128xf32>
      %select_n3A_1443 = arith.select %eq3A_1439, %broadcast_in_dim3A_1442, %select_n3A_1427 : vector<1x128xi1>, vector<1x128xf32>
      %get3A_1444 = arith.constant 89 : index
      %get3A_1445 = memref.load %arg1[%get3A_1444] : memref<128xi32, #tpu.memory_space<smem>>
      %eq3A_1446 = arith.constant 89 : i32
      %eq3A_1447 = vector.broadcast %eq3A_1446 : i32 to vector<1x128xi32>
      %eq3A_1448 = arith.cmpi eq, %iota3A, %eq3A_1447 : vector<1x128xi32>
      %get3A_1449 = arith.index_cast %get3A_1445 : i32 to index
      %get3A_1450 = memref.load %arg2[%get3A_1449] : memref<1000xf32, #tpu.memory_space<smem>>
      %broadcast_in_dim3A_1451 = vector.broadcast %get3A_1450 : f32 to vector<1x128xf32>
      %select_n3A_1452 = arith.select %eq3A_1448, %broadcast_in_dim3A_1451, %select_n3A_1436 : vector<1x128xi1>, vector<1x128xf32>
      %eq3A_1453 = arith.constant 89 : i32
      %eq3A_1454 = vector.broadcast %eq3A_1453 : i32 to vector<1x128xi32>
      %eq3A_1455 = arith.cmpi eq, %iota3A, %eq3A_1454 : vector<1x128xi32>
      %get3A_1456 = arith.index_cast %get3A_1445 : i32 to index
      %get3A_1457 = memref.load %arg3[%get3A_1456] : memref<1000xf32, #tpu.memory_space<smem>>
      %broadcast_in_dim3A_1458 = vector.broadcast %get3A_1457 : f32 to vector<1x128xf32>
      %select_n3A_1459 = arith.select %eq3A_1455, %broadcast_in_dim3A_1458, %select_n3A_1443 : vector<1x128xi1>, vector<1x128xf32>
      %get3A_1460 = arith.constant 90 : index
      %get3A_1461 = memref.load %arg1[%get3A_1460] : memref<128xi32, #tpu.memory_space<smem>>
      %eq3A_1462 = arith.constant 90 : i32
      %eq3A_1463 = vector.broadcast %eq3A_1462 : i32 to vector<1x128xi32>
      %eq3A_1464 = arith.cmpi eq, %iota3A, %eq3A_1463 : vector<1x128xi32>
      %get3A_1465 = arith.index_cast %get3A_1461 : i32 to index
      %get3A_1466 = memref.load %arg2[%get3A_1465] : memref<1000xf32, #tpu.memory_space<smem>>
      %broadcast_in_dim3A_1467 = vector.broadcast %get3A_1466 : f32 to vector<1x128xf32>
      %select_n3A_1468 = arith.select %eq3A_1464, %broadcast_in_dim3A_1467, %select_n3A_1452 : vector<1x128xi1>, vector<1x128xf32>
      %eq3A_1469 = arith.constant 90 : i32
      %eq3A_1470 = vector.broadcast %eq3A_1469 : i32 to vector<1x128xi32>
      %eq3A_1471 = arith.cmpi eq, %iota3A, %eq3A_1470 : vector<1x128xi32>
      %get3A_1472 = arith.index_cast %get3A_1461 : i32 to index
      %get3A_1473 = memref.load %arg3[%get3A_1472] : memref<1000xf32, #tpu.memory_space<smem>>
      %broadcast_in_dim3A_1474 = vector.broadcast %get3A_1473 : f32 to vector<1x128xf32>
      %select_n3A_1475 = arith.select %eq3A_1471, %broadcast_in_dim3A_1474, %select_n3A_1459 : vector<1x128xi1>, vector<1x128xf32>
      %get3A_1476 = arith.constant 91 : index
      %get3A_1477 = memref.load %arg1[%get3A_1476] : memref<128xi32, #tpu.memory_space<smem>>
      %eq3A_1478 = arith.constant 91 : i32
      %eq3A_1479 = vector.broadcast %eq3A_1478 : i32 to vector<1x128xi32>
      %eq3A_1480 = arith.cmpi eq, %iota3A, %eq3A_1479 : vector<1x128xi32>
      %get3A_1481 = arith.index_cast %get3A_1477 : i32 to index
      %get3A_1482 = memref.load %arg2[%get3A_1481] : memref<1000xf32, #tpu.memory_space<smem>>
      %broadcast_in_dim3A_1483 = vector.broadcast %get3A_1482 : f32 to vector<1x128xf32>
      %select_n3A_1484 = arith.select %eq3A_1480, %broadcast_in_dim3A_1483, %select_n3A_1468 : vector<1x128xi1>, vector<1x128xf32>
      %eq3A_1485 = arith.constant 91 : i32
      %eq3A_1486 = vector.broadcast %eq3A_1485 : i32 to vector<1x128xi32>
      %eq3A_1487 = arith.cmpi eq, %iota3A, %eq3A_1486 : vector<1x128xi32>
      %get3A_1488 = arith.index_cast %get3A_1477 : i32 to index
      %get3A_1489 = memref.load %arg3[%get3A_1488] : memref<1000xf32, #tpu.memory_space<smem>>
      %broadcast_in_dim3A_1490 = vector.broadcast %get3A_1489 : f32 to vector<1x128xf32>
      %select_n3A_1491 = arith.select %eq3A_1487, %broadcast_in_dim3A_1490, %select_n3A_1475 : vector<1x128xi1>, vector<1x128xf32>
      %get3A_1492 = arith.constant 92 : index
      %get3A_1493 = memref.load %arg1[%get3A_1492] : memref<128xi32, #tpu.memory_space<smem>>
      %eq3A_1494 = arith.constant 92 : i32
      %eq3A_1495 = vector.broadcast %eq3A_1494 : i32 to vector<1x128xi32>
      %eq3A_1496 = arith.cmpi eq, %iota3A, %eq3A_1495 : vector<1x128xi32>
      %get3A_1497 = arith.index_cast %get3A_1493 : i32 to index
      %get3A_1498 = memref.load %arg2[%get3A_1497] : memref<1000xf32, #tpu.memory_space<smem>>
      %broadcast_in_dim3A_1499 = vector.broadcast %get3A_1498 : f32 to vector<1x128xf32>
      %select_n3A_1500 = arith.select %eq3A_1496, %broadcast_in_dim3A_1499, %select_n3A_1484 : vector<1x128xi1>, vector<1x128xf32>
      %eq3A_1501 = arith.constant 92 : i32
      %eq3A_1502 = vector.broadcast %eq3A_1501 : i32 to vector<1x128xi32>
      %eq3A_1503 = arith.cmpi eq, %iota3A, %eq3A_1502 : vector<1x128xi32>
      %get3A_1504 = arith.index_cast %get3A_1493 : i32 to index
      %get3A_1505 = memref.load %arg3[%get3A_1504] : memref<1000xf32, #tpu.memory_space<smem>>
      %broadcast_in_dim3A_1506 = vector.broadcast %get3A_1505 : f32 to vector<1x128xf32>
      %select_n3A_1507 = arith.select %eq3A_1503, %broadcast_in_dim3A_1506, %select_n3A_1491 : vector<1x128xi1>, vector<1x128xf32>
      %get3A_1508 = arith.constant 93 : index
      %get3A_1509 = memref.load %arg1[%get3A_1508] : memref<128xi32, #tpu.memory_space<smem>>
      %eq3A_1510 = arith.constant 93 : i32
      %eq3A_1511 = vector.broadcast %eq3A_1510 : i32 to vector<1x128xi32>
      %eq3A_1512 = arith.cmpi eq, %iota3A, %eq3A_1511 : vector<1x128xi32>
      %get3A_1513 = arith.index_cast %get3A_1509 : i32 to index
      %get3A_1514 = memref.load %arg2[%get3A_1513] : memref<1000xf32, #tpu.memory_space<smem>>
      %broadcast_in_dim3A_1515 = vector.broadcast %get3A_1514 : f32 to vector<1x128xf32>
      %select_n3A_1516 = arith.select %eq3A_1512, %broadcast_in_dim3A_1515, %select_n3A_1500 : vector<1x128xi1>, vector<1x128xf32>
      %eq3A_1517 = arith.constant 93 : i32
      %eq3A_1518 = vector.broadcast %eq3A_1517 : i32 to vector<1x128xi32>
      %eq3A_1519 = arith.cmpi eq, %iota3A, %eq3A_1518 : vector<1x128xi32>
      %get3A_1520 = arith.index_cast %get3A_1509 : i32 to index
      %get3A_1521 = memref.load %arg3[%get3A_1520] : memref<1000xf32, #tpu.memory_space<smem>>
      %broadcast_in_dim3A_1522 = vector.broadcast %get3A_1521 : f32 to vector<1x128xf32>
      %select_n3A_1523 = arith.select %eq3A_1519, %broadcast_in_dim3A_1522, %select_n3A_1507 : vector<1x128xi1>, vector<1x128xf32>
      %get3A_1524 = arith.constant 94 : index
      %get3A_1525 = memref.load %arg1[%get3A_1524] : memref<128xi32, #tpu.memory_space<smem>>
      %eq3A_1526 = arith.constant 94 : i32
      %eq3A_1527 = vector.broadcast %eq3A_1526 : i32 to vector<1x128xi32>
      %eq3A_1528 = arith.cmpi eq, %iota3A, %eq3A_1527 : vector<1x128xi32>
      %get3A_1529 = arith.index_cast %get3A_1525 : i32 to index
      %get3A_1530 = memref.load %arg2[%get3A_1529] : memref<1000xf32, #tpu.memory_space<smem>>
      %broadcast_in_dim3A_1531 = vector.broadcast %get3A_1530 : f32 to vector<1x128xf32>
      %select_n3A_1532 = arith.select %eq3A_1528, %broadcast_in_dim3A_1531, %select_n3A_1516 : vector<1x128xi1>, vector<1x128xf32>
      %eq3A_1533 = arith.constant 94 : i32
      %eq3A_1534 = vector.broadcast %eq3A_1533 : i32 to vector<1x128xi32>
      %eq3A_1535 = arith.cmpi eq, %iota3A, %eq3A_1534 : vector<1x128xi32>
      %get3A_1536 = arith.index_cast %get3A_1525 : i32 to index
      %get3A_1537 = memref.load %arg3[%get3A_1536] : memref<1000xf32, #tpu.memory_space<smem>>
      %broadcast_in_dim3A_1538 = vector.broadcast %get3A_1537 : f32 to vector<1x128xf32>
      %select_n3A_1539 = arith.select %eq3A_1535, %broadcast_in_dim3A_1538, %select_n3A_1523 : vector<1x128xi1>, vector<1x128xf32>
      %get3A_1540 = arith.constant 95 : index
      %get3A_1541 = memref.load %arg1[%get3A_1540] : memref<128xi32, #tpu.memory_space<smem>>
      %eq3A_1542 = arith.constant 95 : i32
      %eq3A_1543 = vector.broadcast %eq3A_1542 : i32 to vector<1x128xi32>
      %eq3A_1544 = arith.cmpi eq, %iota3A, %eq3A_1543 : vector<1x128xi32>
      %get3A_1545 = arith.index_cast %get3A_1541 : i32 to index
      %get3A_1546 = memref.load %arg2[%get3A_1545] : memref<1000xf32, #tpu.memory_space<smem>>
      %broadcast_in_dim3A_1547 = vector.broadcast %get3A_1546 : f32 to vector<1x128xf32>
      %select_n3A_1548 = arith.select %eq3A_1544, %broadcast_in_dim3A_1547, %select_n3A_1532 : vector<1x128xi1>, vector<1x128xf32>
      %eq3A_1549 = arith.constant 95 : i32
      %eq3A_1550 = vector.broadcast %eq3A_1549 : i32 to vector<1x128xi32>
      %eq3A_1551 = arith.cmpi eq, %iota3A, %eq3A_1550 : vector<1x128xi32>
      %get3A_1552 = arith.index_cast %get3A_1541 : i32 to index
      %get3A_1553 = memref.load %arg3[%get3A_1552] : memref<1000xf32, #tpu.memory_space<smem>>
      %broadcast_in_dim3A_1554 = vector.broadcast %get3A_1553 : f32 to vector<1x128xf32>
      %select_n3A_1555 = arith.select %eq3A_1551, %broadcast_in_dim3A_1554, %select_n3A_1539 : vector<1x128xi1>, vector<1x128xf32>
      %get3A_1556 = arith.constant 96 : index
      %get3A_1557 = memref.load %arg1[%get3A_1556] : memref<128xi32, #tpu.memory_space<smem>>
      %eq3A_1558 = arith.constant 96 : i32
      %eq3A_1559 = vector.broadcast %eq3A_1558 : i32 to vector<1x128xi32>
      %eq3A_1560 = arith.cmpi eq, %iota3A, %eq3A_1559 : vector<1x128xi32>
      %get3A_1561 = arith.index_cast %get3A_1557 : i32 to index
      %get3A_1562 = memref.load %arg2[%get3A_1561] : memref<1000xf32, #tpu.memory_space<smem>>
      %broadcast_in_dim3A_1563 = vector.broadcast %get3A_1562 : f32 to vector<1x128xf32>
      %select_n3A_1564 = arith.select %eq3A_1560, %broadcast_in_dim3A_1563, %select_n3A_1548 : vector<1x128xi1>, vector<1x128xf32>
      %eq3A_1565 = arith.constant 96 : i32
      %eq3A_1566 = vector.broadcast %eq3A_1565 : i32 to vector<1x128xi32>
      %eq3A_1567 = arith.cmpi eq, %iota3A, %eq3A_1566 : vector<1x128xi32>
      %get3A_1568 = arith.index_cast %get3A_1557 : i32 to index
      %get3A_1569 = memref.load %arg3[%get3A_1568] : memref<1000xf32, #tpu.memory_space<smem>>
      %broadcast_in_dim3A_1570 = vector.broadcast %get3A_1569 : f32 to vector<1x128xf32>
      %select_n3A_1571 = arith.select %eq3A_1567, %broadcast_in_dim3A_1570, %select_n3A_1555 : vector<1x128xi1>, vector<1x128xf32>
      %get3A_1572 = arith.constant 97 : index
      %get3A_1573 = memref.load %arg1[%get3A_1572] : memref<128xi32, #tpu.memory_space<smem>>
      %eq3A_1574 = arith.constant 97 : i32
      %eq3A_1575 = vector.broadcast %eq3A_1574 : i32 to vector<1x128xi32>
      %eq3A_1576 = arith.cmpi eq, %iota3A, %eq3A_1575 : vector<1x128xi32>
      %get3A_1577 = arith.index_cast %get3A_1573 : i32 to index
      %get3A_1578 = memref.load %arg2[%get3A_1577] : memref<1000xf32, #tpu.memory_space<smem>>
      %broadcast_in_dim3A_1579 = vector.broadcast %get3A_1578 : f32 to vector<1x128xf32>
      %select_n3A_1580 = arith.select %eq3A_1576, %broadcast_in_dim3A_1579, %select_n3A_1564 : vector<1x128xi1>, vector<1x128xf32>
      %eq3A_1581 = arith.constant 97 : i32
      %eq3A_1582 = vector.broadcast %eq3A_1581 : i32 to vector<1x128xi32>
      %eq3A_1583 = arith.cmpi eq, %iota3A, %eq3A_1582 : vector<1x128xi32>
      %get3A_1584 = arith.index_cast %get3A_1573 : i32 to index
      %get3A_1585 = memref.load %arg3[%get3A_1584] : memref<1000xf32, #tpu.memory_space<smem>>
      %broadcast_in_dim3A_1586 = vector.broadcast %get3A_1585 : f32 to vector<1x128xf32>
      %select_n3A_1587 = arith.select %eq3A_1583, %broadcast_in_dim3A_1586, %select_n3A_1571 : vector<1x128xi1>, vector<1x128xf32>
      %get3A_1588 = arith.constant 98 : index
      %get3A_1589 = memref.load %arg1[%get3A_1588] : memref<128xi32, #tpu.memory_space<smem>>
      %eq3A_1590 = arith.constant 98 : i32
      %eq3A_1591 = vector.broadcast %eq3A_1590 : i32 to vector<1x128xi32>
      %eq3A_1592 = arith.cmpi eq, %iota3A, %eq3A_1591 : vector<1x128xi32>
      %get3A_1593 = arith.index_cast %get3A_1589 : i32 to index
      %get3A_1594 = memref.load %arg2[%get3A_1593] : memref<1000xf32, #tpu.memory_space<smem>>
      %broadcast_in_dim3A_1595 = vector.broadcast %get3A_1594 : f32 to vector<1x128xf32>
      %select_n3A_1596 = arith.select %eq3A_1592, %broadcast_in_dim3A_1595, %select_n3A_1580 : vector<1x128xi1>, vector<1x128xf32>
      %eq3A_1597 = arith.constant 98 : i32
      %eq3A_1598 = vector.broadcast %eq3A_1597 : i32 to vector<1x128xi32>
      %eq3A_1599 = arith.cmpi eq, %iota3A, %eq3A_1598 : vector<1x128xi32>
      %get3A_1600 = arith.index_cast %get3A_1589 : i32 to index
      %get3A_1601 = memref.load %arg3[%get3A_1600] : memref<1000xf32, #tpu.memory_space<smem>>
      %broadcast_in_dim3A_1602 = vector.broadcast %get3A_1601 : f32 to vector<1x128xf32>
      %select_n3A_1603 = arith.select %eq3A_1599, %broadcast_in_dim3A_1602, %select_n3A_1587 : vector<1x128xi1>, vector<1x128xf32>
      %get3A_1604 = arith.constant 99 : index
      %get3A_1605 = memref.load %arg1[%get3A_1604] : memref<128xi32, #tpu.memory_space<smem>>
      %eq3A_1606 = arith.constant 99 : i32
      %eq3A_1607 = vector.broadcast %eq3A_1606 : i32 to vector<1x128xi32>
      %eq3A_1608 = arith.cmpi eq, %iota3A, %eq3A_1607 : vector<1x128xi32>
      %get3A_1609 = arith.index_cast %get3A_1605 : i32 to index
      %get3A_1610 = memref.load %arg2[%get3A_1609] : memref<1000xf32, #tpu.memory_space<smem>>
      %broadcast_in_dim3A_1611 = vector.broadcast %get3A_1610 : f32 to vector<1x128xf32>
      %select_n3A_1612 = arith.select %eq3A_1608, %broadcast_in_dim3A_1611, %select_n3A_1596 : vector<1x128xi1>, vector<1x128xf32>
      %eq3A_1613 = arith.constant 99 : i32
      %eq3A_1614 = vector.broadcast %eq3A_1613 : i32 to vector<1x128xi32>
      %eq3A_1615 = arith.cmpi eq, %iota3A, %eq3A_1614 : vector<1x128xi32>
      %get3A_1616 = arith.index_cast %get3A_1605 : i32 to index
      %get3A_1617 = memref.load %arg3[%get3A_1616] : memref<1000xf32, #tpu.memory_space<smem>>
      %broadcast_in_dim3A_1618 = vector.broadcast %get3A_1617 : f32 to vector<1x128xf32>
      %select_n3A_1619 = arith.select %eq3A_1615, %broadcast_in_dim3A_1618, %select_n3A_1603 : vector<1x128xi1>, vector<1x128xf32>
      %get3A_1620 = arith.constant 100 : index
      %get3A_1621 = memref.load %arg1[%get3A_1620] : memref<128xi32, #tpu.memory_space<smem>>
      %eq3A_1622 = arith.constant 100 : i32
      %eq3A_1623 = vector.broadcast %eq3A_1622 : i32 to vector<1x128xi32>
      %eq3A_1624 = arith.cmpi eq, %iota3A, %eq3A_1623 : vector<1x128xi32>
      %get3A_1625 = arith.index_cast %get3A_1621 : i32 to index
      %get3A_1626 = memref.load %arg2[%get3A_1625] : memref<1000xf32, #tpu.memory_space<smem>>
      %broadcast_in_dim3A_1627 = vector.broadcast %get3A_1626 : f32 to vector<1x128xf32>
      %select_n3A_1628 = arith.select %eq3A_1624, %broadcast_in_dim3A_1627, %select_n3A_1612 : vector<1x128xi1>, vector<1x128xf32>
      %eq3A_1629 = arith.constant 100 : i32
      %eq3A_1630 = vector.broadcast %eq3A_1629 : i32 to vector<1x128xi32>
      %eq3A_1631 = arith.cmpi eq, %iota3A, %eq3A_1630 : vector<1x128xi32>
      %get3A_1632 = arith.index_cast %get3A_1621 : i32 to index
      %get3A_1633 = memref.load %arg3[%get3A_1632] : memref<1000xf32, #tpu.memory_space<smem>>
      %broadcast_in_dim3A_1634 = vector.broadcast %get3A_1633 : f32 to vector<1x128xf32>
      %select_n3A_1635 = arith.select %eq3A_1631, %broadcast_in_dim3A_1634, %select_n3A_1619 : vector<1x128xi1>, vector<1x128xf32>
      %get3A_1636 = arith.constant 101 : index
      %get3A_1637 = memref.load %arg1[%get3A_1636] : memref<128xi32, #tpu.memory_space<smem>>
      %eq3A_1638 = arith.constant 101 : i32
      %eq3A_1639 = vector.broadcast %eq3A_1638 : i32 to vector<1x128xi32>
      %eq3A_1640 = arith.cmpi eq, %iota3A, %eq3A_1639 : vector<1x128xi32>
      %get3A_1641 = arith.index_cast %get3A_1637 : i32 to index
      %get3A_1642 = memref.load %arg2[%get3A_1641] : memref<1000xf32, #tpu.memory_space<smem>>
      %broadcast_in_dim3A_1643 = vector.broadcast %get3A_1642 : f32 to vector<1x128xf32>
      %select_n3A_1644 = arith.select %eq3A_1640, %broadcast_in_dim3A_1643, %select_n3A_1628 : vector<1x128xi1>, vector<1x128xf32>
      %eq3A_1645 = arith.constant 101 : i32
      %eq3A_1646 = vector.broadcast %eq3A_1645 : i32 to vector<1x128xi32>
      %eq3A_1647 = arith.cmpi eq, %iota3A, %eq3A_1646 : vector<1x128xi32>
      %get3A_1648 = arith.index_cast %get3A_1637 : i32 to index
      %get3A_1649 = memref.load %arg3[%get3A_1648] : memref<1000xf32, #tpu.memory_space<smem>>
      %broadcast_in_dim3A_1650 = vector.broadcast %get3A_1649 : f32 to vector<1x128xf32>
      %select_n3A_1651 = arith.select %eq3A_1647, %broadcast_in_dim3A_1650, %select_n3A_1635 : vector<1x128xi1>, vector<1x128xf32>
      %get3A_1652 = arith.constant 102 : index
      %get3A_1653 = memref.load %arg1[%get3A_1652] : memref<128xi32, #tpu.memory_space<smem>>
      %eq3A_1654 = arith.constant 102 : i32
      %eq3A_1655 = vector.broadcast %eq3A_1654 : i32 to vector<1x128xi32>
      %eq3A_1656 = arith.cmpi eq, %iota3A, %eq3A_1655 : vector<1x128xi32>
      %get3A_1657 = arith.index_cast %get3A_1653 : i32 to index
      %get3A_1658 = memref.load %arg2[%get3A_1657] : memref<1000xf32, #tpu.memory_space<smem>>
      %broadcast_in_dim3A_1659 = vector.broadcast %get3A_1658 : f32 to vector<1x128xf32>
      %select_n3A_1660 = arith.select %eq3A_1656, %broadcast_in_dim3A_1659, %select_n3A_1644 : vector<1x128xi1>, vector<1x128xf32>
      %eq3A_1661 = arith.constant 102 : i32
      %eq3A_1662 = vector.broadcast %eq3A_1661 : i32 to vector<1x128xi32>
      %eq3A_1663 = arith.cmpi eq, %iota3A, %eq3A_1662 : vector<1x128xi32>
      %get3A_1664 = arith.index_cast %get3A_1653 : i32 to index
      %get3A_1665 = memref.load %arg3[%get3A_1664] : memref<1000xf32, #tpu.memory_space<smem>>
      %broadcast_in_dim3A_1666 = vector.broadcast %get3A_1665 : f32 to vector<1x128xf32>
      %select_n3A_1667 = arith.select %eq3A_1663, %broadcast_in_dim3A_1666, %select_n3A_1651 : vector<1x128xi1>, vector<1x128xf32>
      %get3A_1668 = arith.constant 103 : index
      %get3A_1669 = memref.load %arg1[%get3A_1668] : memref<128xi32, #tpu.memory_space<smem>>
      %eq3A_1670 = arith.constant 103 : i32
      %eq3A_1671 = vector.broadcast %eq3A_1670 : i32 to vector<1x128xi32>
      %eq3A_1672 = arith.cmpi eq, %iota3A, %eq3A_1671 : vector<1x128xi32>
      %get3A_1673 = arith.index_cast %get3A_1669 : i32 to index
      %get3A_1674 = memref.load %arg2[%get3A_1673] : memref<1000xf32, #tpu.memory_space<smem>>
      %broadcast_in_dim3A_1675 = vector.broadcast %get3A_1674 : f32 to vector<1x128xf32>
      %select_n3A_1676 = arith.select %eq3A_1672, %broadcast_in_dim3A_1675, %select_n3A_1660 : vector<1x128xi1>, vector<1x128xf32>
      %eq3A_1677 = arith.constant 103 : i32
      %eq3A_1678 = vector.broadcast %eq3A_1677 : i32 to vector<1x128xi32>
      %eq3A_1679 = arith.cmpi eq, %iota3A, %eq3A_1678 : vector<1x128xi32>
      %get3A_1680 = arith.index_cast %get3A_1669 : i32 to index
      %get3A_1681 = memref.load %arg3[%get3A_1680] : memref<1000xf32, #tpu.memory_space<smem>>
      %broadcast_in_dim3A_1682 = vector.broadcast %get3A_1681 : f32 to vector<1x128xf32>
      %select_n3A_1683 = arith.select %eq3A_1679, %broadcast_in_dim3A_1682, %select_n3A_1667 : vector<1x128xi1>, vector<1x128xf32>
      %get3A_1684 = arith.constant 104 : index
      %get3A_1685 = memref.load %arg1[%get3A_1684] : memref<128xi32, #tpu.memory_space<smem>>
      %eq3A_1686 = arith.constant 104 : i32
      %eq3A_1687 = vector.broadcast %eq3A_1686 : i32 to vector<1x128xi32>
      %eq3A_1688 = arith.cmpi eq, %iota3A, %eq3A_1687 : vector<1x128xi32>
      %get3A_1689 = arith.index_cast %get3A_1685 : i32 to index
      %get3A_1690 = memref.load %arg2[%get3A_1689] : memref<1000xf32, #tpu.memory_space<smem>>
      %broadcast_in_dim3A_1691 = vector.broadcast %get3A_1690 : f32 to vector<1x128xf32>
      %select_n3A_1692 = arith.select %eq3A_1688, %broadcast_in_dim3A_1691, %select_n3A_1676 : vector<1x128xi1>, vector<1x128xf32>
      %eq3A_1693 = arith.constant 104 : i32
      %eq3A_1694 = vector.broadcast %eq3A_1693 : i32 to vector<1x128xi32>
      %eq3A_1695 = arith.cmpi eq, %iota3A, %eq3A_1694 : vector<1x128xi32>
      %get3A_1696 = arith.index_cast %get3A_1685 : i32 to index
      %get3A_1697 = memref.load %arg3[%get3A_1696] : memref<1000xf32, #tpu.memory_space<smem>>
      %broadcast_in_dim3A_1698 = vector.broadcast %get3A_1697 : f32 to vector<1x128xf32>
      %select_n3A_1699 = arith.select %eq3A_1695, %broadcast_in_dim3A_1698, %select_n3A_1683 : vector<1x128xi1>, vector<1x128xf32>
      %get3A_1700 = arith.constant 105 : index
      %get3A_1701 = memref.load %arg1[%get3A_1700] : memref<128xi32, #tpu.memory_space<smem>>
      %eq3A_1702 = arith.constant 105 : i32
      %eq3A_1703 = vector.broadcast %eq3A_1702 : i32 to vector<1x128xi32>
      %eq3A_1704 = arith.cmpi eq, %iota3A, %eq3A_1703 : vector<1x128xi32>
      %get3A_1705 = arith.index_cast %get3A_1701 : i32 to index
      %get3A_1706 = memref.load %arg2[%get3A_1705] : memref<1000xf32, #tpu.memory_space<smem>>
      %broadcast_in_dim3A_1707 = vector.broadcast %get3A_1706 : f32 to vector<1x128xf32>
      %select_n3A_1708 = arith.select %eq3A_1704, %broadcast_in_dim3A_1707, %select_n3A_1692 : vector<1x128xi1>, vector<1x128xf32>
      %eq3A_1709 = arith.constant 105 : i32
      %eq3A_1710 = vector.broadcast %eq3A_1709 : i32 to vector<1x128xi32>
      %eq3A_1711 = arith.cmpi eq, %iota3A, %eq3A_1710 : vector<1x128xi32>
      %get3A_1712 = arith.index_cast %get3A_1701 : i32 to index
      %get3A_1713 = memref.load %arg3[%get3A_1712] : memref<1000xf32, #tpu.memory_space<smem>>
      %broadcast_in_dim3A_1714 = vector.broadcast %get3A_1713 : f32 to vector<1x128xf32>
      %select_n3A_1715 = arith.select %eq3A_1711, %broadcast_in_dim3A_1714, %select_n3A_1699 : vector<1x128xi1>, vector<1x128xf32>
      %get3A_1716 = arith.constant 106 : index
      %get3A_1717 = memref.load %arg1[%get3A_1716] : memref<128xi32, #tpu.memory_space<smem>>
      %eq3A_1718 = arith.constant 106 : i32
      %eq3A_1719 = vector.broadcast %eq3A_1718 : i32 to vector<1x128xi32>
      %eq3A_1720 = arith.cmpi eq, %iota3A, %eq3A_1719 : vector<1x128xi32>
      %get3A_1721 = arith.index_cast %get3A_1717 : i32 to index
      %get3A_1722 = memref.load %arg2[%get3A_1721] : memref<1000xf32, #tpu.memory_space<smem>>
      %broadcast_in_dim3A_1723 = vector.broadcast %get3A_1722 : f32 to vector<1x128xf32>
      %select_n3A_1724 = arith.select %eq3A_1720, %broadcast_in_dim3A_1723, %select_n3A_1708 : vector<1x128xi1>, vector<1x128xf32>
      %eq3A_1725 = arith.constant 106 : i32
      %eq3A_1726 = vector.broadcast %eq3A_1725 : i32 to vector<1x128xi32>
      %eq3A_1727 = arith.cmpi eq, %iota3A, %eq3A_1726 : vector<1x128xi32>
      %get3A_1728 = arith.index_cast %get3A_1717 : i32 to index
      %get3A_1729 = memref.load %arg3[%get3A_1728] : memref<1000xf32, #tpu.memory_space<smem>>
      %broadcast_in_dim3A_1730 = vector.broadcast %get3A_1729 : f32 to vector<1x128xf32>
      %select_n3A_1731 = arith.select %eq3A_1727, %broadcast_in_dim3A_1730, %select_n3A_1715 : vector<1x128xi1>, vector<1x128xf32>
      %get3A_1732 = arith.constant 107 : index
      %get3A_1733 = memref.load %arg1[%get3A_1732] : memref<128xi32, #tpu.memory_space<smem>>
      %eq3A_1734 = arith.constant 107 : i32
      %eq3A_1735 = vector.broadcast %eq3A_1734 : i32 to vector<1x128xi32>
      %eq3A_1736 = arith.cmpi eq, %iota3A, %eq3A_1735 : vector<1x128xi32>
      %get3A_1737 = arith.index_cast %get3A_1733 : i32 to index
      %get3A_1738 = memref.load %arg2[%get3A_1737] : memref<1000xf32, #tpu.memory_space<smem>>
      %broadcast_in_dim3A_1739 = vector.broadcast %get3A_1738 : f32 to vector<1x128xf32>
      %select_n3A_1740 = arith.select %eq3A_1736, %broadcast_in_dim3A_1739, %select_n3A_1724 : vector<1x128xi1>, vector<1x128xf32>
      %eq3A_1741 = arith.constant 107 : i32
      %eq3A_1742 = vector.broadcast %eq3A_1741 : i32 to vector<1x128xi32>
      %eq3A_1743 = arith.cmpi eq, %iota3A, %eq3A_1742 : vector<1x128xi32>
      %get3A_1744 = arith.index_cast %get3A_1733 : i32 to index
      %get3A_1745 = memref.load %arg3[%get3A_1744] : memref<1000xf32, #tpu.memory_space<smem>>
      %broadcast_in_dim3A_1746 = vector.broadcast %get3A_1745 : f32 to vector<1x128xf32>
      %select_n3A_1747 = arith.select %eq3A_1743, %broadcast_in_dim3A_1746, %select_n3A_1731 : vector<1x128xi1>, vector<1x128xf32>
      %get3A_1748 = arith.constant 108 : index
      %get3A_1749 = memref.load %arg1[%get3A_1748] : memref<128xi32, #tpu.memory_space<smem>>
      %eq3A_1750 = arith.constant 108 : i32
      %eq3A_1751 = vector.broadcast %eq3A_1750 : i32 to vector<1x128xi32>
      %eq3A_1752 = arith.cmpi eq, %iota3A, %eq3A_1751 : vector<1x128xi32>
      %get3A_1753 = arith.index_cast %get3A_1749 : i32 to index
      %get3A_1754 = memref.load %arg2[%get3A_1753] : memref<1000xf32, #tpu.memory_space<smem>>
      %broadcast_in_dim3A_1755 = vector.broadcast %get3A_1754 : f32 to vector<1x128xf32>
      %select_n3A_1756 = arith.select %eq3A_1752, %broadcast_in_dim3A_1755, %select_n3A_1740 : vector<1x128xi1>, vector<1x128xf32>
      %eq3A_1757 = arith.constant 108 : i32
      %eq3A_1758 = vector.broadcast %eq3A_1757 : i32 to vector<1x128xi32>
      %eq3A_1759 = arith.cmpi eq, %iota3A, %eq3A_1758 : vector<1x128xi32>
      %get3A_1760 = arith.index_cast %get3A_1749 : i32 to index
      %get3A_1761 = memref.load %arg3[%get3A_1760] : memref<1000xf32, #tpu.memory_space<smem>>
      %broadcast_in_dim3A_1762 = vector.broadcast %get3A_1761 : f32 to vector<1x128xf32>
      %select_n3A_1763 = arith.select %eq3A_1759, %broadcast_in_dim3A_1762, %select_n3A_1747 : vector<1x128xi1>, vector<1x128xf32>
      %get3A_1764 = arith.constant 109 : index
      %get3A_1765 = memref.load %arg1[%get3A_1764] : memref<128xi32, #tpu.memory_space<smem>>
      %eq3A_1766 = arith.constant 109 : i32
      %eq3A_1767 = vector.broadcast %eq3A_1766 : i32 to vector<1x128xi32>
      %eq3A_1768 = arith.cmpi eq, %iota3A, %eq3A_1767 : vector<1x128xi32>
      %get3A_1769 = arith.index_cast %get3A_1765 : i32 to index
      %get3A_1770 = memref.load %arg2[%get3A_1769] : memref<1000xf32, #tpu.memory_space<smem>>
      %broadcast_in_dim3A_1771 = vector.broadcast %get3A_1770 : f32 to vector<1x128xf32>
      %select_n3A_1772 = arith.select %eq3A_1768, %broadcast_in_dim3A_1771, %select_n3A_1756 : vector<1x128xi1>, vector<1x128xf32>
      %eq3A_1773 = arith.constant 109 : i32
      %eq3A_1774 = vector.broadcast %eq3A_1773 : i32 to vector<1x128xi32>
      %eq3A_1775 = arith.cmpi eq, %iota3A, %eq3A_1774 : vector<1x128xi32>
      %get3A_1776 = arith.index_cast %get3A_1765 : i32 to index
      %get3A_1777 = memref.load %arg3[%get3A_1776] : memref<1000xf32, #tpu.memory_space<smem>>
      %broadcast_in_dim3A_1778 = vector.broadcast %get3A_1777 : f32 to vector<1x128xf32>
      %select_n3A_1779 = arith.select %eq3A_1775, %broadcast_in_dim3A_1778, %select_n3A_1763 : vector<1x128xi1>, vector<1x128xf32>
      %get3A_1780 = arith.constant 110 : index
      %get3A_1781 = memref.load %arg1[%get3A_1780] : memref<128xi32, #tpu.memory_space<smem>>
      %eq3A_1782 = arith.constant 110 : i32
      %eq3A_1783 = vector.broadcast %eq3A_1782 : i32 to vector<1x128xi32>
      %eq3A_1784 = arith.cmpi eq, %iota3A, %eq3A_1783 : vector<1x128xi32>
      %get3A_1785 = arith.index_cast %get3A_1781 : i32 to index
      %get3A_1786 = memref.load %arg2[%get3A_1785] : memref<1000xf32, #tpu.memory_space<smem>>
      %broadcast_in_dim3A_1787 = vector.broadcast %get3A_1786 : f32 to vector<1x128xf32>
      %select_n3A_1788 = arith.select %eq3A_1784, %broadcast_in_dim3A_1787, %select_n3A_1772 : vector<1x128xi1>, vector<1x128xf32>
      %eq3A_1789 = arith.constant 110 : i32
      %eq3A_1790 = vector.broadcast %eq3A_1789 : i32 to vector<1x128xi32>
      %eq3A_1791 = arith.cmpi eq, %iota3A, %eq3A_1790 : vector<1x128xi32>
      %get3A_1792 = arith.index_cast %get3A_1781 : i32 to index
      %get3A_1793 = memref.load %arg3[%get3A_1792] : memref<1000xf32, #tpu.memory_space<smem>>
      %broadcast_in_dim3A_1794 = vector.broadcast %get3A_1793 : f32 to vector<1x128xf32>
      %select_n3A_1795 = arith.select %eq3A_1791, %broadcast_in_dim3A_1794, %select_n3A_1779 : vector<1x128xi1>, vector<1x128xf32>
      %get3A_1796 = arith.constant 111 : index
      %get3A_1797 = memref.load %arg1[%get3A_1796] : memref<128xi32, #tpu.memory_space<smem>>
      %eq3A_1798 = arith.constant 111 : i32
      %eq3A_1799 = vector.broadcast %eq3A_1798 : i32 to vector<1x128xi32>
      %eq3A_1800 = arith.cmpi eq, %iota3A, %eq3A_1799 : vector<1x128xi32>
      %get3A_1801 = arith.index_cast %get3A_1797 : i32 to index
      %get3A_1802 = memref.load %arg2[%get3A_1801] : memref<1000xf32, #tpu.memory_space<smem>>
      %broadcast_in_dim3A_1803 = vector.broadcast %get3A_1802 : f32 to vector<1x128xf32>
      %select_n3A_1804 = arith.select %eq3A_1800, %broadcast_in_dim3A_1803, %select_n3A_1788 : vector<1x128xi1>, vector<1x128xf32>
      %eq3A_1805 = arith.constant 111 : i32
      %eq3A_1806 = vector.broadcast %eq3A_1805 : i32 to vector<1x128xi32>
      %eq3A_1807 = arith.cmpi eq, %iota3A, %eq3A_1806 : vector<1x128xi32>
      %get3A_1808 = arith.index_cast %get3A_1797 : i32 to index
      %get3A_1809 = memref.load %arg3[%get3A_1808] : memref<1000xf32, #tpu.memory_space<smem>>
      %broadcast_in_dim3A_1810 = vector.broadcast %get3A_1809 : f32 to vector<1x128xf32>
      %select_n3A_1811 = arith.select %eq3A_1807, %broadcast_in_dim3A_1810, %select_n3A_1795 : vector<1x128xi1>, vector<1x128xf32>
      %get3A_1812 = arith.constant 112 : index
      %get3A_1813 = memref.load %arg1[%get3A_1812] : memref<128xi32, #tpu.memory_space<smem>>
      %eq3A_1814 = arith.constant 112 : i32
      %eq3A_1815 = vector.broadcast %eq3A_1814 : i32 to vector<1x128xi32>
      %eq3A_1816 = arith.cmpi eq, %iota3A, %eq3A_1815 : vector<1x128xi32>
      %get3A_1817 = arith.index_cast %get3A_1813 : i32 to index
      %get3A_1818 = memref.load %arg2[%get3A_1817] : memref<1000xf32, #tpu.memory_space<smem>>
      %broadcast_in_dim3A_1819 = vector.broadcast %get3A_1818 : f32 to vector<1x128xf32>
      %select_n3A_1820 = arith.select %eq3A_1816, %broadcast_in_dim3A_1819, %select_n3A_1804 : vector<1x128xi1>, vector<1x128xf32>
      %eq3A_1821 = arith.constant 112 : i32
      %eq3A_1822 = vector.broadcast %eq3A_1821 : i32 to vector<1x128xi32>
      %eq3A_1823 = arith.cmpi eq, %iota3A, %eq3A_1822 : vector<1x128xi32>
      %get3A_1824 = arith.index_cast %get3A_1813 : i32 to index
      %get3A_1825 = memref.load %arg3[%get3A_1824] : memref<1000xf32, #tpu.memory_space<smem>>
      %broadcast_in_dim3A_1826 = vector.broadcast %get3A_1825 : f32 to vector<1x128xf32>
      %select_n3A_1827 = arith.select %eq3A_1823, %broadcast_in_dim3A_1826, %select_n3A_1811 : vector<1x128xi1>, vector<1x128xf32>
      %get3A_1828 = arith.constant 113 : index
      %get3A_1829 = memref.load %arg1[%get3A_1828] : memref<128xi32, #tpu.memory_space<smem>>
      %eq3A_1830 = arith.constant 113 : i32
      %eq3A_1831 = vector.broadcast %eq3A_1830 : i32 to vector<1x128xi32>
      %eq3A_1832 = arith.cmpi eq, %iota3A, %eq3A_1831 : vector<1x128xi32>
      %get3A_1833 = arith.index_cast %get3A_1829 : i32 to index
      %get3A_1834 = memref.load %arg2[%get3A_1833] : memref<1000xf32, #tpu.memory_space<smem>>
      %broadcast_in_dim3A_1835 = vector.broadcast %get3A_1834 : f32 to vector<1x128xf32>
      %select_n3A_1836 = arith.select %eq3A_1832, %broadcast_in_dim3A_1835, %select_n3A_1820 : vector<1x128xi1>, vector<1x128xf32>
      %eq3A_1837 = arith.constant 113 : i32
      %eq3A_1838 = vector.broadcast %eq3A_1837 : i32 to vector<1x128xi32>
      %eq3A_1839 = arith.cmpi eq, %iota3A, %eq3A_1838 : vector<1x128xi32>
      %get3A_1840 = arith.index_cast %get3A_1829 : i32 to index
      %get3A_1841 = memref.load %arg3[%get3A_1840] : memref<1000xf32, #tpu.memory_space<smem>>
      %broadcast_in_dim3A_1842 = vector.broadcast %get3A_1841 : f32 to vector<1x128xf32>
      %select_n3A_1843 = arith.select %eq3A_1839, %broadcast_in_dim3A_1842, %select_n3A_1827 : vector<1x128xi1>, vector<1x128xf32>
      %get3A_1844 = arith.constant 114 : index
      %get3A_1845 = memref.load %arg1[%get3A_1844] : memref<128xi32, #tpu.memory_space<smem>>
      %eq3A_1846 = arith.constant 114 : i32
      %eq3A_1847 = vector.broadcast %eq3A_1846 : i32 to vector<1x128xi32>
      %eq3A_1848 = arith.cmpi eq, %iota3A, %eq3A_1847 : vector<1x128xi32>
      %get3A_1849 = arith.index_cast %get3A_1845 : i32 to index
      %get3A_1850 = memref.load %arg2[%get3A_1849] : memref<1000xf32, #tpu.memory_space<smem>>
      %broadcast_in_dim3A_1851 = vector.broadcast %get3A_1850 : f32 to vector<1x128xf32>
      %select_n3A_1852 = arith.select %eq3A_1848, %broadcast_in_dim3A_1851, %select_n3A_1836 : vector<1x128xi1>, vector<1x128xf32>
      %eq3A_1853 = arith.constant 114 : i32
      %eq3A_1854 = vector.broadcast %eq3A_1853 : i32 to vector<1x128xi32>
      %eq3A_1855 = arith.cmpi eq, %iota3A, %eq3A_1854 : vector<1x128xi32>
      %get3A_1856 = arith.index_cast %get3A_1845 : i32 to index
      %get3A_1857 = memref.load %arg3[%get3A_1856] : memref<1000xf32, #tpu.memory_space<smem>>
      %broadcast_in_dim3A_1858 = vector.broadcast %get3A_1857 : f32 to vector<1x128xf32>
      %select_n3A_1859 = arith.select %eq3A_1855, %broadcast_in_dim3A_1858, %select_n3A_1843 : vector<1x128xi1>, vector<1x128xf32>
      %get3A_1860 = arith.constant 115 : index
      %get3A_1861 = memref.load %arg1[%get3A_1860] : memref<128xi32, #tpu.memory_space<smem>>
      %eq3A_1862 = arith.constant 115 : i32
      %eq3A_1863 = vector.broadcast %eq3A_1862 : i32 to vector<1x128xi32>
      %eq3A_1864 = arith.cmpi eq, %iota3A, %eq3A_1863 : vector<1x128xi32>
      %get3A_1865 = arith.index_cast %get3A_1861 : i32 to index
      %get3A_1866 = memref.load %arg2[%get3A_1865] : memref<1000xf32, #tpu.memory_space<smem>>
      %broadcast_in_dim3A_1867 = vector.broadcast %get3A_1866 : f32 to vector<1x128xf32>
      %select_n3A_1868 = arith.select %eq3A_1864, %broadcast_in_dim3A_1867, %select_n3A_1852 : vector<1x128xi1>, vector<1x128xf32>
      %eq3A_1869 = arith.constant 115 : i32
      %eq3A_1870 = vector.broadcast %eq3A_1869 : i32 to vector<1x128xi32>
      %eq3A_1871 = arith.cmpi eq, %iota3A, %eq3A_1870 : vector<1x128xi32>
      %get3A_1872 = arith.index_cast %get3A_1861 : i32 to index
      %get3A_1873 = memref.load %arg3[%get3A_1872] : memref<1000xf32, #tpu.memory_space<smem>>
      %broadcast_in_dim3A_1874 = vector.broadcast %get3A_1873 : f32 to vector<1x128xf32>
      %select_n3A_1875 = arith.select %eq3A_1871, %broadcast_in_dim3A_1874, %select_n3A_1859 : vector<1x128xi1>, vector<1x128xf32>
      %get3A_1876 = arith.constant 116 : index
      %get3A_1877 = memref.load %arg1[%get3A_1876] : memref<128xi32, #tpu.memory_space<smem>>
      %eq3A_1878 = arith.constant 116 : i32
      %eq3A_1879 = vector.broadcast %eq3A_1878 : i32 to vector<1x128xi32>
      %eq3A_1880 = arith.cmpi eq, %iota3A, %eq3A_1879 : vector<1x128xi32>
      %get3A_1881 = arith.index_cast %get3A_1877 : i32 to index
      %get3A_1882 = memref.load %arg2[%get3A_1881] : memref<1000xf32, #tpu.memory_space<smem>>
      %broadcast_in_dim3A_1883 = vector.broadcast %get3A_1882 : f32 to vector<1x128xf32>
      %select_n3A_1884 = arith.select %eq3A_1880, %broadcast_in_dim3A_1883, %select_n3A_1868 : vector<1x128xi1>, vector<1x128xf32>
      %eq3A_1885 = arith.constant 116 : i32
      %eq3A_1886 = vector.broadcast %eq3A_1885 : i32 to vector<1x128xi32>
      %eq3A_1887 = arith.cmpi eq, %iota3A, %eq3A_1886 : vector<1x128xi32>
      %get3A_1888 = arith.index_cast %get3A_1877 : i32 to index
      %get3A_1889 = memref.load %arg3[%get3A_1888] : memref<1000xf32, #tpu.memory_space<smem>>
      %broadcast_in_dim3A_1890 = vector.broadcast %get3A_1889 : f32 to vector<1x128xf32>
      %select_n3A_1891 = arith.select %eq3A_1887, %broadcast_in_dim3A_1890, %select_n3A_1875 : vector<1x128xi1>, vector<1x128xf32>
      %get3A_1892 = arith.constant 117 : index
      %get3A_1893 = memref.load %arg1[%get3A_1892] : memref<128xi32, #tpu.memory_space<smem>>
      %eq3A_1894 = arith.constant 117 : i32
      %eq3A_1895 = vector.broadcast %eq3A_1894 : i32 to vector<1x128xi32>
      %eq3A_1896 = arith.cmpi eq, %iota3A, %eq3A_1895 : vector<1x128xi32>
      %get3A_1897 = arith.index_cast %get3A_1893 : i32 to index
      %get3A_1898 = memref.load %arg2[%get3A_1897] : memref<1000xf32, #tpu.memory_space<smem>>
      %broadcast_in_dim3A_1899 = vector.broadcast %get3A_1898 : f32 to vector<1x128xf32>
      %select_n3A_1900 = arith.select %eq3A_1896, %broadcast_in_dim3A_1899, %select_n3A_1884 : vector<1x128xi1>, vector<1x128xf32>
      %eq3A_1901 = arith.constant 117 : i32
      %eq3A_1902 = vector.broadcast %eq3A_1901 : i32 to vector<1x128xi32>
      %eq3A_1903 = arith.cmpi eq, %iota3A, %eq3A_1902 : vector<1x128xi32>
      %get3A_1904 = arith.index_cast %get3A_1893 : i32 to index
      %get3A_1905 = memref.load %arg3[%get3A_1904] : memref<1000xf32, #tpu.memory_space<smem>>
      %broadcast_in_dim3A_1906 = vector.broadcast %get3A_1905 : f32 to vector<1x128xf32>
      %select_n3A_1907 = arith.select %eq3A_1903, %broadcast_in_dim3A_1906, %select_n3A_1891 : vector<1x128xi1>, vector<1x128xf32>
      %get3A_1908 = arith.constant 118 : index
      %get3A_1909 = memref.load %arg1[%get3A_1908] : memref<128xi32, #tpu.memory_space<smem>>
      %eq3A_1910 = arith.constant 118 : i32
      %eq3A_1911 = vector.broadcast %eq3A_1910 : i32 to vector<1x128xi32>
      %eq3A_1912 = arith.cmpi eq, %iota3A, %eq3A_1911 : vector<1x128xi32>
      %get3A_1913 = arith.index_cast %get3A_1909 : i32 to index
      %get3A_1914 = memref.load %arg2[%get3A_1913] : memref<1000xf32, #tpu.memory_space<smem>>
      %broadcast_in_dim3A_1915 = vector.broadcast %get3A_1914 : f32 to vector<1x128xf32>
      %select_n3A_1916 = arith.select %eq3A_1912, %broadcast_in_dim3A_1915, %select_n3A_1900 : vector<1x128xi1>, vector<1x128xf32>
      %eq3A_1917 = arith.constant 118 : i32
      %eq3A_1918 = vector.broadcast %eq3A_1917 : i32 to vector<1x128xi32>
      %eq3A_1919 = arith.cmpi eq, %iota3A, %eq3A_1918 : vector<1x128xi32>
      %get3A_1920 = arith.index_cast %get3A_1909 : i32 to index
      %get3A_1921 = memref.load %arg3[%get3A_1920] : memref<1000xf32, #tpu.memory_space<smem>>
      %broadcast_in_dim3A_1922 = vector.broadcast %get3A_1921 : f32 to vector<1x128xf32>
      %select_n3A_1923 = arith.select %eq3A_1919, %broadcast_in_dim3A_1922, %select_n3A_1907 : vector<1x128xi1>, vector<1x128xf32>
      %get3A_1924 = arith.constant 119 : index
      %get3A_1925 = memref.load %arg1[%get3A_1924] : memref<128xi32, #tpu.memory_space<smem>>
      %eq3A_1926 = arith.constant 119 : i32
      %eq3A_1927 = vector.broadcast %eq3A_1926 : i32 to vector<1x128xi32>
      %eq3A_1928 = arith.cmpi eq, %iota3A, %eq3A_1927 : vector<1x128xi32>
      %get3A_1929 = arith.index_cast %get3A_1925 : i32 to index
      %get3A_1930 = memref.load %arg2[%get3A_1929] : memref<1000xf32, #tpu.memory_space<smem>>
      %broadcast_in_dim3A_1931 = vector.broadcast %get3A_1930 : f32 to vector<1x128xf32>
      %select_n3A_1932 = arith.select %eq3A_1928, %broadcast_in_dim3A_1931, %select_n3A_1916 : vector<1x128xi1>, vector<1x128xf32>
      %eq3A_1933 = arith.constant 119 : i32
      %eq3A_1934 = vector.broadcast %eq3A_1933 : i32 to vector<1x128xi32>
      %eq3A_1935 = arith.cmpi eq, %iota3A, %eq3A_1934 : vector<1x128xi32>
      %get3A_1936 = arith.index_cast %get3A_1925 : i32 to index
      %get3A_1937 = memref.load %arg3[%get3A_1936] : memref<1000xf32, #tpu.memory_space<smem>>
      %broadcast_in_dim3A_1938 = vector.broadcast %get3A_1937 : f32 to vector<1x128xf32>
      %select_n3A_1939 = arith.select %eq3A_1935, %broadcast_in_dim3A_1938, %select_n3A_1923 : vector<1x128xi1>, vector<1x128xf32>
      %get3A_1940 = arith.constant 120 : index
      %get3A_1941 = memref.load %arg1[%get3A_1940] : memref<128xi32, #tpu.memory_space<smem>>
      %eq3A_1942 = arith.constant 120 : i32
      %eq3A_1943 = vector.broadcast %eq3A_1942 : i32 to vector<1x128xi32>
      %eq3A_1944 = arith.cmpi eq, %iota3A, %eq3A_1943 : vector<1x128xi32>
      %get3A_1945 = arith.index_cast %get3A_1941 : i32 to index
      %get3A_1946 = memref.load %arg2[%get3A_1945] : memref<1000xf32, #tpu.memory_space<smem>>
      %broadcast_in_dim3A_1947 = vector.broadcast %get3A_1946 : f32 to vector<1x128xf32>
      %select_n3A_1948 = arith.select %eq3A_1944, %broadcast_in_dim3A_1947, %select_n3A_1932 : vector<1x128xi1>, vector<1x128xf32>
      %eq3A_1949 = arith.constant 120 : i32
      %eq3A_1950 = vector.broadcast %eq3A_1949 : i32 to vector<1x128xi32>
      %eq3A_1951 = arith.cmpi eq, %iota3A, %eq3A_1950 : vector<1x128xi32>
      %get3A_1952 = arith.index_cast %get3A_1941 : i32 to index
      %get3A_1953 = memref.load %arg3[%get3A_1952] : memref<1000xf32, #tpu.memory_space<smem>>
      %broadcast_in_dim3A_1954 = vector.broadcast %get3A_1953 : f32 to vector<1x128xf32>
      %select_n3A_1955 = arith.select %eq3A_1951, %broadcast_in_dim3A_1954, %select_n3A_1939 : vector<1x128xi1>, vector<1x128xf32>
      %get3A_1956 = arith.constant 121 : index
      %get3A_1957 = memref.load %arg1[%get3A_1956] : memref<128xi32, #tpu.memory_space<smem>>
      %eq3A_1958 = arith.constant 121 : i32
      %eq3A_1959 = vector.broadcast %eq3A_1958 : i32 to vector<1x128xi32>
      %eq3A_1960 = arith.cmpi eq, %iota3A, %eq3A_1959 : vector<1x128xi32>
      %get3A_1961 = arith.index_cast %get3A_1957 : i32 to index
      %get3A_1962 = memref.load %arg2[%get3A_1961] : memref<1000xf32, #tpu.memory_space<smem>>
      %broadcast_in_dim3A_1963 = vector.broadcast %get3A_1962 : f32 to vector<1x128xf32>
      %select_n3A_1964 = arith.select %eq3A_1960, %broadcast_in_dim3A_1963, %select_n3A_1948 : vector<1x128xi1>, vector<1x128xf32>
      %eq3A_1965 = arith.constant 121 : i32
      %eq3A_1966 = vector.broadcast %eq3A_1965 : i32 to vector<1x128xi32>
      %eq3A_1967 = arith.cmpi eq, %iota3A, %eq3A_1966 : vector<1x128xi32>
      %get3A_1968 = arith.index_cast %get3A_1957 : i32 to index
      %get3A_1969 = memref.load %arg3[%get3A_1968] : memref<1000xf32, #tpu.memory_space<smem>>
      %broadcast_in_dim3A_1970 = vector.broadcast %get3A_1969 : f32 to vector<1x128xf32>
      %select_n3A_1971 = arith.select %eq3A_1967, %broadcast_in_dim3A_1970, %select_n3A_1955 : vector<1x128xi1>, vector<1x128xf32>
      %get3A_1972 = arith.constant 122 : index
      %get3A_1973 = memref.load %arg1[%get3A_1972] : memref<128xi32, #tpu.memory_space<smem>>
      %eq3A_1974 = arith.constant 122 : i32
      %eq3A_1975 = vector.broadcast %eq3A_1974 : i32 to vector<1x128xi32>
      %eq3A_1976 = arith.cmpi eq, %iota3A, %eq3A_1975 : vector<1x128xi32>
      %get3A_1977 = arith.index_cast %get3A_1973 : i32 to index
      %get3A_1978 = memref.load %arg2[%get3A_1977] : memref<1000xf32, #tpu.memory_space<smem>>
      %broadcast_in_dim3A_1979 = vector.broadcast %get3A_1978 : f32 to vector<1x128xf32>
      %select_n3A_1980 = arith.select %eq3A_1976, %broadcast_in_dim3A_1979, %select_n3A_1964 : vector<1x128xi1>, vector<1x128xf32>
      %eq3A_1981 = arith.constant 122 : i32
      %eq3A_1982 = vector.broadcast %eq3A_1981 : i32 to vector<1x128xi32>
      %eq3A_1983 = arith.cmpi eq, %iota3A, %eq3A_1982 : vector<1x128xi32>
      %get3A_1984 = arith.index_cast %get3A_1973 : i32 to index
      %get3A_1985 = memref.load %arg3[%get3A_1984] : memref<1000xf32, #tpu.memory_space<smem>>
      %broadcast_in_dim3A_1986 = vector.broadcast %get3A_1985 : f32 to vector<1x128xf32>
      %select_n3A_1987 = arith.select %eq3A_1983, %broadcast_in_dim3A_1986, %select_n3A_1971 : vector<1x128xi1>, vector<1x128xf32>
      %get3A_1988 = arith.constant 123 : index
      %get3A_1989 = memref.load %arg1[%get3A_1988] : memref<128xi32, #tpu.memory_space<smem>>
      %eq3A_1990 = arith.constant 123 : i32
      %eq3A_1991 = vector.broadcast %eq3A_1990 : i32 to vector<1x128xi32>
      %eq3A_1992 = arith.cmpi eq, %iota3A, %eq3A_1991 : vector<1x128xi32>
      %get3A_1993 = arith.index_cast %get3A_1989 : i32 to index
      %get3A_1994 = memref.load %arg2[%get3A_1993] : memref<1000xf32, #tpu.memory_space<smem>>
      %broadcast_in_dim3A_1995 = vector.broadcast %get3A_1994 : f32 to vector<1x128xf32>
      %select_n3A_1996 = arith.select %eq3A_1992, %broadcast_in_dim3A_1995, %select_n3A_1980 : vector<1x128xi1>, vector<1x128xf32>
      %eq3A_1997 = arith.constant 123 : i32
      %eq3A_1998 = vector.broadcast %eq3A_1997 : i32 to vector<1x128xi32>
      %eq3A_1999 = arith.cmpi eq, %iota3A, %eq3A_1998 : vector<1x128xi32>
      %get3A_2000 = arith.index_cast %get3A_1989 : i32 to index
      %get3A_2001 = memref.load %arg3[%get3A_2000] : memref<1000xf32, #tpu.memory_space<smem>>
      %broadcast_in_dim3A_2002 = vector.broadcast %get3A_2001 : f32 to vector<1x128xf32>
      %select_n3A_2003 = arith.select %eq3A_1999, %broadcast_in_dim3A_2002, %select_n3A_1987 : vector<1x128xi1>, vector<1x128xf32>
      %get3A_2004 = arith.constant 124 : index
      %get3A_2005 = memref.load %arg1[%get3A_2004] : memref<128xi32, #tpu.memory_space<smem>>
      %eq3A_2006 = arith.constant 124 : i32
      %eq3A_2007 = vector.broadcast %eq3A_2006 : i32 to vector<1x128xi32>
      %eq3A_2008 = arith.cmpi eq, %iota3A, %eq3A_2007 : vector<1x128xi32>
      %get3A_2009 = arith.index_cast %get3A_2005 : i32 to index
      %get3A_2010 = memref.load %arg2[%get3A_2009] : memref<1000xf32, #tpu.memory_space<smem>>
      %broadcast_in_dim3A_2011 = vector.broadcast %get3A_2010 : f32 to vector<1x128xf32>
      %select_n3A_2012 = arith.select %eq3A_2008, %broadcast_in_dim3A_2011, %select_n3A_1996 : vector<1x128xi1>, vector<1x128xf32>
      %eq3A_2013 = arith.constant 124 : i32
      %eq3A_2014 = vector.broadcast %eq3A_2013 : i32 to vector<1x128xi32>
      %eq3A_2015 = arith.cmpi eq, %iota3A, %eq3A_2014 : vector<1x128xi32>
      %get3A_2016 = arith.index_cast %get3A_2005 : i32 to index
      %get3A_2017 = memref.load %arg3[%get3A_2016] : memref<1000xf32, #tpu.memory_space<smem>>
      %broadcast_in_dim3A_2018 = vector.broadcast %get3A_2017 : f32 to vector<1x128xf32>
      %select_n3A_2019 = arith.select %eq3A_2015, %broadcast_in_dim3A_2018, %select_n3A_2003 : vector<1x128xi1>, vector<1x128xf32>
      %get3A_2020 = arith.constant 125 : index
      %get3A_2021 = memref.load %arg1[%get3A_2020] : memref<128xi32, #tpu.memory_space<smem>>
      %eq3A_2022 = arith.constant 125 : i32
      %eq3A_2023 = vector.broadcast %eq3A_2022 : i32 to vector<1x128xi32>
      %eq3A_2024 = arith.cmpi eq, %iota3A, %eq3A_2023 : vector<1x128xi32>
      %get3A_2025 = arith.index_cast %get3A_2021 : i32 to index
      %get3A_2026 = memref.load %arg2[%get3A_2025] : memref<1000xf32, #tpu.memory_space<smem>>
      %broadcast_in_dim3A_2027 = vector.broadcast %get3A_2026 : f32 to vector<1x128xf32>
      %select_n3A_2028 = arith.select %eq3A_2024, %broadcast_in_dim3A_2027, %select_n3A_2012 : vector<1x128xi1>, vector<1x128xf32>
      %eq3A_2029 = arith.constant 125 : i32
      %eq3A_2030 = vector.broadcast %eq3A_2029 : i32 to vector<1x128xi32>
      %eq3A_2031 = arith.cmpi eq, %iota3A, %eq3A_2030 : vector<1x128xi32>
      %get3A_2032 = arith.index_cast %get3A_2021 : i32 to index
      %get3A_2033 = memref.load %arg3[%get3A_2032] : memref<1000xf32, #tpu.memory_space<smem>>
      %broadcast_in_dim3A_2034 = vector.broadcast %get3A_2033 : f32 to vector<1x128xf32>
      %select_n3A_2035 = arith.select %eq3A_2031, %broadcast_in_dim3A_2034, %select_n3A_2019 : vector<1x128xi1>, vector<1x128xf32>
      %get3A_2036 = arith.constant 126 : index
      %get3A_2037 = memref.load %arg1[%get3A_2036] : memref<128xi32, #tpu.memory_space<smem>>
      %eq3A_2038 = arith.constant 126 : i32
      %eq3A_2039 = vector.broadcast %eq3A_2038 : i32 to vector<1x128xi32>
      %eq3A_2040 = arith.cmpi eq, %iota3A, %eq3A_2039 : vector<1x128xi32>
      %get3A_2041 = arith.index_cast %get3A_2037 : i32 to index
      %get3A_2042 = memref.load %arg2[%get3A_2041] : memref<1000xf32, #tpu.memory_space<smem>>
      %broadcast_in_dim3A_2043 = vector.broadcast %get3A_2042 : f32 to vector<1x128xf32>
      %select_n3A_2044 = arith.select %eq3A_2040, %broadcast_in_dim3A_2043, %select_n3A_2028 : vector<1x128xi1>, vector<1x128xf32>
      %eq3A_2045 = arith.constant 126 : i32
      %eq3A_2046 = vector.broadcast %eq3A_2045 : i32 to vector<1x128xi32>
      %eq3A_2047 = arith.cmpi eq, %iota3A, %eq3A_2046 : vector<1x128xi32>
      %get3A_2048 = arith.index_cast %get3A_2037 : i32 to index
      %get3A_2049 = memref.load %arg3[%get3A_2048] : memref<1000xf32, #tpu.memory_space<smem>>
      %broadcast_in_dim3A_2050 = vector.broadcast %get3A_2049 : f32 to vector<1x128xf32>
      %select_n3A_2051 = arith.select %eq3A_2047, %broadcast_in_dim3A_2050, %select_n3A_2035 : vector<1x128xi1>, vector<1x128xf32>
      %get3A_2052 = arith.constant 127 : index
      %get3A_2053 = memref.load %arg1[%get3A_2052] : memref<128xi32, #tpu.memory_space<smem>>
      %eq3A_2054 = arith.constant 127 : i32
      %eq3A_2055 = vector.broadcast %eq3A_2054 : i32 to vector<1x128xi32>
      %eq3A_2056 = arith.cmpi eq, %iota3A, %eq3A_2055 : vector<1x128xi32>
      %get3A_2057 = arith.index_cast %get3A_2053 : i32 to index
      %get3A_2058 = memref.load %arg2[%get3A_2057] : memref<1000xf32, #tpu.memory_space<smem>>
      %broadcast_in_dim3A_2059 = vector.broadcast %get3A_2058 : f32 to vector<1x128xf32>
      %select_n3A_2060 = arith.select %eq3A_2056, %broadcast_in_dim3A_2059, %select_n3A_2044 : vector<1x128xi1>, vector<1x128xf32>
      %eq3A_2061 = arith.constant 127 : i32
      %eq3A_2062 = vector.broadcast %eq3A_2061 : i32 to vector<1x128xi32>
      %eq3A_2063 = arith.cmpi eq, %iota3A, %eq3A_2062 : vector<1x128xi32>
      %get3A_2064 = arith.index_cast %get3A_2053 : i32 to index
      %get3A_2065 = memref.load %arg3[%get3A_2064] : memref<1000xf32, #tpu.memory_space<smem>>
      %broadcast_in_dim3A_2066 = vector.broadcast %get3A_2065 : f32 to vector<1x128xf32>
      %select_n3A_2067 = arith.select %eq3A_2063, %broadcast_in_dim3A_2066, %select_n3A_2051 : vector<1x128xi1>, vector<1x128xf32>
      %swap3A_2068 = arith.constant 0 : index
      %swap3A_2069 = arith.constant 0 : index
      %swap3A_2070 = vector.load %arg7[%swap3A_2068, %swap3A_2069] : memref<8x128xf32, #tpu.memory_space<vmem>>, vector<1x128xf32>
      tpu.vector_store %arg7[%swap3A_2068, %swap3A_2069], %select_n3A_2060 {strides = array<i32>} : memref<8x128xf32, #tpu.memory_space<vmem>>, vector<1x128xf32>,
      %swap3A_2071 = arith.constant 0 : index
      %swap3A_2072 = arith.constant 0 : index
      %swap3A_2073 = vector.load %arg8[%swap3A_2071, %swap3A_2072] : memref<8x128xf32, #tpu.memory_space<vmem>>, vector<1x128xf32>
      tpu.vector_store %arg8[%swap3A_2071, %swap3A_2072], %select_n3A_2067 {strides = array<i32>} : memref<8x128xf32, #tpu.memory_space<vmem>>, vector<1x128xf32>,
    } else {
    }
    %get3A = arith.constant 0 : index
    %get3A_2 = arith.constant 0 : index
    %get3A_3 = vector.load %arg7[%get3A, %get3A_2] : memref<8x128xf32, #tpu.memory_space<vmem>>, vector<1x128xf32>
    %get3A_4 = arith.constant 0 : index
    %get3A_5 = arith.constant 0 : index
    %get3A_6 = vector.load %arg8[%get3A_4, %get3A_5] : memref<8x128xf32, #tpu.memory_space<vmem>>, vector<1x128xf32>
    %get3A_7 = arith.constant 0 : index
    %get3A_8 = arith.constant 0 : index
    %get3A_9 = vector.load %arg4[%get3A_7, %get3A_8] : memref<1536x128xf32, #tpu.memory_space<vmem>>, vector<1536x128xf32>
    %mul3A = vector.broadcast %get3A_3 : vector<1x128xf32> to vector<1536x128xf32>
    %mul3A_10 = arith.mulf %mul3A, %get3A_9 : vector<1536x128xf32>
    %get3A_11 = arith.constant 0 : index
    %get3A_12 = arith.constant 0 : index
    %get3A_13 = vector.load %arg5[%get3A_11, %get3A_12] : memref<1536x128xf32, #tpu.memory_space<vmem>>, vector<1536x128xf32>
    %mul3A_14 = vector.broadcast %get3A_6 : vector<1x128xf32> to vector<1536x128xf32>
    %mul3A_15 = arith.mulf %mul3A_14, %get3A_13 : vector<1536x128xf32>
    %add3A = arith.addf %mul3A_10, %mul3A_15 : vector<1536x128xf32>
    %swap3A = arith.constant 0 : index
    %swap3A_16 = arith.constant 0 : index
    %swap3A_17 = vector.load %arg6[%swap3A, %swap3A_16] : memref<1536x128xf32, #tpu.memory_space<vmem>>, vector<1536x128xf32>
    tpu.vector_store %arg6[%swap3A, %swap3A_16], %add3A {strides = array<i32>} : memref<1536x128xf32, #tpu.memory_space<vmem>>, vector<1536x128xf32>,
    return
  }
  func.func @transform_0(%arg0: i32, %arg1: memref<128xi32, #tpu.memory_space<smem>>, %arg2: memref<1000xf32, #tpu.memory_space<smem>>, %arg3: memref<1000xf32, #tpu.memory_space<smem>>) -> (i32, i32) {
    %c0_i32 = arith.constant 0 : i32
    %c0_i32_0 = arith.constant 0 : i32
    return %arg0, %c0_i32 : i32, i32
  }
  func.func @transform_1(%arg0: i32, %arg1: memref<128xi32, #tpu.memory_space<smem>>, %arg2: memref<1000xf32, #tpu.memory_space<smem>>, %arg3: memref<1000xf32, #tpu.memory_space<smem>>) -> (i32, i32) {
    %c0_i32 = arith.constant 0 : i32
    %c0_i32_0 = arith.constant 0 : i32
    return %arg0, %c0_i32 : i32, i32
  }
  func.func @transform_2(%arg0: i32, %arg1: memref<128xi32, #tpu.memory_space<smem>>, %arg2: memref<1000xf32, #tpu.memory_space<smem>>, %arg3: memref<1000xf32, #tpu.memory_space<smem>>) -> (i32, i32) {
    %c0_i32 = arith.constant 0 : i32
    %c0_i32_0 = arith.constant 0 : i32
    return %arg0, %c0_i32 : i32, i32
  }
}

</mosaic_0001>

<sc_bundles>
// kernel: kernel.4.cloned.1.call-start
scs
__scs_entry_jumppad:
0x0: {  	(pc) =	sbr.rel $0x88, $3  }
0x1: {  	(tag) =	ssettag $0x0;
	lr =	simm.s32 $0x1  }
0x2: {  	[smem:$0x3F9C] =	sst lr;
	_ =	strace $0xD0000000  }
0x3: {  	_ = 	snop  }
0x4: {  	_ = 	snop  }
0x5: {  	_ = 	snop  }
0x6: {  	_ = 	snop  }
0x7: {  	_ = 	snop  }
__scs_overlays_trampoline_lowered:
0x8: {  	[smem:$0x3FAB] =	sst s0  }
0x9: {  	[smem:$0x3FAC] =	sst s1  }
0xa: {  	[smem:$0x3FAD] =	sst s2  }
0xb: {  	[smem:$0x3FAE] =	sst s3  }
0xc: {  	[smem:$0x3FAF] =	sst s4  }
0xd: {  	[smem:$0x3FB0] =	sst s5  }
0xe: {  	[smem:$0x3FB1] =	sst s6  }
0xf: {  	[smem:$0x3FB2] =	sst s7  }
0x10: {  	[smem:$0x3FB3] =	sst s8  }
0x11: {  	[smem:$0x3FB4] =	sst s9;
	s0 =	simm.s32 @!p0 $0x0  }
0x12: {  	s1 =	sld [smem:$0x3F9A];
	s0 =	simm.s32 @p0 $0x1  }
0x13: {  	[smem:$0x3FB5] =	sst s0;
	s0 =	simm.s32 @!p1 $0x0  }
0x14: {  	s2 =	sld [smem:$0x3F99];
	s0 =	simm.s32 @p1 $0x1  }
0x15: {  	[smem:$0x3FB6] =	sst s0;
	s0 =	simm.s32 @!p2 $0x0  }
0x16: {  	s3 =	sld [smem:$0x3FDB];
	s0 =	simm.s32 @p2 $0x1  }
0x17: {  	s4 =	simm.s32 $0x1BF5;
	[smem:$0x3FB8] =	sst s0  }
0x18: {  	s0 =	sld [smem:$0x3F9B];
	_ =	swait.ge [sflag:s4], $0x0  }
0x19: {  	s7 =	sld [smem:$0x3F9C]  }
0x1a: {  	s8 =	sadd.s32 $0xFFFFE003, lr  }
0x1b: {  	s9 =	sadd.s32 $0xFFFFFEF7, lr;
	s5 =	simm.s32 $0xFFFFFFFF;
	p2 =	slt.u32 s8, $0xFFFFF086  }
0x1c: {  	p1 =	slt.u32 s9, $0xF7A;
	s5 =	simm.s32 @!p2 $0x0  }
0x1d: {  	s5 =	simm.s32 @p1 $0x1;
	p0 =	seq.s32 s7, s2  }
0x1e: {  	s7 =	smul.u32 @!p0 $0xF7A, s2;
	p2 =	seq.s32 @!p0 s5, $0x0  }
0x1f: {  	s9 =	smul.u32 $0xF7A, s1;
	s8 =	simm.s32 @!p0 $0x1BF5;
	p2 =	por !p2, p0  }
0x20: {  	[sflag:s8] =	ssyncset.s32 @!p0 $0xFFFFF086;
	s6 =	sadd.s32 @!p0 s3, s7;
	s7 =	simm.s32 @!p0 $0x108  }
0x21: {  	s3 =	sadd.s32 s3, s9;
	s6 =	sadd.s32 @!p0 $0x88, s6;
	s7 =	simm.s32 @p2 $0x1082  }
0x22: {  	[simem:s7], [sflag:s8] =	dma.local @!p0 [hbm:s6], $0xF7A  }
0x23: {  	s9 =	sor.u32 $0xD0000000, s2;
	s6 =	simm.s32 $0x108;
	_ =	swait.ge @!p0 [sflag:s8], $0x0  }
0x24: {  	s3 =	sadd.s32 $0x88, s3;
	s6 =	simm.s32 @!p1 $0x1082;
	[sflag:s4] =	ssyncset.s32 $0xFFFFF086  }
0x25: {  	[simem:s6], [sflag:s4] =	dma.local [hbm:s3], $0xF7A  }
0x26: {  	[smem:$0x3F9C] =	sst s1;
	(tag) =	ssettag s2;
	_ =	strace s9  }
0x27: {  	s1 =	sld [smem:$0x3FAC]  }
0x28: {  	s2 =	sld [smem:$0x3FAD]  }
0x29: {  	s4 =	sld [smem:$0x3FAF]  }
0x2a: {  	p0 =	seq.s32 s5, $0x0;
	s5 =	sld [smem:$0x3FB0]  }
0x2b: {  	s6 =	sld [smem:$0x3FB1]  }
0x2c: {  	s7 =	sld [smem:$0x3FB2]  }
0x2d: {  	s3 =	simm.s32 $0x108;
	s8 =	sld [smem:$0x3FB3]  }
0x2e: {  	s3 =	simm.s32 @!p0 $0x1082;
	s9 =	sld [smem:$0x3FB4]  }
0x2f: {  	lr =	sadd.s32 s0, s3;
	s0 =	sld [smem:$0x3FAB]  }
0x30: {  	s3 =	sld [smem:$0x3FAE]  }
0x31: {  	[smem:$0x3FB7] =	sst s10  }
0x32: {  	s10 =	sld [smem:$0x3FB5];
	_ =	sdelay $0x3  }
0x33: {  	p0 =	seq.s32 s10, $0x1;
	s10 =	sld [smem:$0x3FB7];
	_ =	sdelay $0x3  }
0x34: {  	[smem:$0x3FB7] =	sst s10  }
0x35: {  	s10 =	sld [smem:$0x3FB6];
	_ =	sdelay $0x3  }
0x36: {  	p1 =	seq.s32 s10, $0x1;
	s10 =	sld [smem:$0x3FB7];
	_ =	sdelay $0x3  }
0x37: {  	[smem:$0x3FB7] =	sst s10  }
0x38: {  	s10 =	sld [smem:$0x3FB8]  }
0x39: {  	_ = 	snop;
	(pc) =	sbr.ind lr, $3  }
0x3a: {  	_ = 	snop  }
0x3b: {  	_ = 	snop  }
0x3c: {  	p2 =	seq.s32 s10, $0x1;
	s10 =	sld [smem:$0x3FB7]  }
0x3d: {  	_ =	shalt  }
0x3e: {  	_ =	shalt  }
0x3f: {  	_ =	shalt  }
0x40: {  	_ =	shalt  }
0x41: {  	_ =	shalt  }
0x42: {  	_ =	shalt  }
0x43: {  	_ =	shalt  }
0x44: {  	_ =	shalt  }
0x45: {  	_ =	shalt  }
0x46: {  	_ =	shalt  }
0x47: {  	_ =	shalt  }
0x48: {  	_ =	shalt  }
0x49: {  	_ =	shalt  }
0x4a: {  	_ =	shalt  }
0x4b: {  	_ =	shalt  }
0x4c: {  	_ =	shalt  }
0x4d: {  	_ =	shalt  }
0x4e: {  	_ =	shalt  }
0x4f: {  	_ =	shalt  }
0x50: {  	_ =	shalt  }
0x51: {  	_ =	shalt  }
0x52: {  	_ =	shalt  }
0x53: {  	_ =	shalt  }
0x54: {  	_ =	shalt  }
0x55: {  	_ =	shalt  }
0x56: {  	_ =	shalt  }
0x57: {  	_ =	shalt  }
0x58: {  	_ =	shalt  }
0x59: {  	_ =	shalt  }
0x5a: {  	_ =	shalt  }
0x5b: {  	_ =	shalt  }
0x5c: {  	_ =	shalt  }
0x5d: {  	_ =	shalt  }
0x5e: {  	_ =	shalt  }
0x5f: {  	_ =	shalt  }
0x60: {  	_ =	shalt  }
0x61: {  	_ =	shalt  }
0x62: {  	_ =	shalt  }
0x63: {  	_ =	shalt  }
0x64: {  	_ =	shalt  }
0x65: {  	_ =	shalt  }
0x66: {  	_ =	shalt  }
0x67: {  	_ =	shalt  }
0x68: {  	_ =	shalt  }
0x69: {  	_ =	shalt  }
0x6a: {  	_ =	shalt  }
0x6b: {  	_ =	shalt  }
0x6c: {  	_ =	shalt  }
0x6d: {  	_ =	shalt  }
0x6e: {  	_ =	shalt  }
0x6f: {  	_ =	shalt  }
0x70: {  	_ =	shalt  }
0x71: {  	_ =	shalt  }
0x72: {  	_ =	shalt  }
0x73: {  	_ =	shalt  }
0x74: {  	_ =	shalt  }
0x75: {  	_ =	shalt  }
0x76: {  	_ =	shalt  }
0x77: {  	_ =	shalt  }
0x78: {  	_ =	shalt  }
0x79: {  	_ =	shalt  }
0x7a: {  	_ =	shalt  }
0x7b: {  	_ =	shalt  }
0x7c: {  	_ =	shalt  }
0x7d: {  	_ =	shalt  }
0x7e: {  	_ =	shalt  }
0x7f: {  	_ =	shalt  }
0x80: {  	_ =	shalt  }
0x81: {  	_ =	shalt  }
0x82: {  	_ =	shalt  }
0x83: {  	_ =	shalt  }
0x84: {  	_ =	shalt  }
0x85: {  	_ =	shalt  }
0x86: {  	_ =	shalt  }
0x87: {  	_ =	shalt  }
.Lfunc_end0:
.L_simem_size_0:
called_computation_lowered:
.L_overlay_start_0:
0x88: {  	s2 =	sld [smem:$0x3FD9]  }
0x89: {  	s3 =	sld [smem:$0x3FFE];
	_ =	sdelay $0x1  }
0x8a: {  	s1 =	srdreg.scid  }
0x8b: {  	s0 =	sand.u32 $0x1, s1  }
0x8c: {  	s15 =	sshll.u32 s0, $0xA;
	s2 =	sadd.s32 s3, s2  }
0x8d: {  	s2 =	sadd.s32 s2, s15  }
0x8e: {  	[smem:$0x3FC3] =	sst s2  }
0x8f: {  	_ = 	snop  }
0x90: {  	s2 =	sld [smem:$0x3FD0];
	_ =	sdelay $0x2  }
0x91: {  	s4 =	simm.s32 $0xA;
	s5 =	simm.s32 $0x10;
	s16 =	sld [smem:$0x3FC7]  }
0x92: {  	[smem:s5], [sflag:s4] =	dma.local [hbm:s2], $0x1  }
0x93: {  	_ =	swait.eq [sflag:s4], $0x1  }
0x94: {  	[sflag:s4] =	ssyncset.done $0x0  }
0x95: {  	[sflag:s4] =	ssyncadd.s32 $0xFFFFFFFF  }
0x96: {  	s17 =	sld [smem:$0x11];
	(tm) =	ssettm $0x1  }
0x97: {  	s18 =	sld [smem:$0x3FFB];
	_ =	sdelay $0x3  }
0x98: {  	_ =	strace s18  }
0x99: {  	s4 =	sld [smem:$0x3FFC];
	_ =	sdelay $0x3  }
0x9a: {  	_ =	strace s4  }
0x9b: {  	s4 =	sld [smem:$0x3FFD];
	_ =	sdelay $0x3  }
0x9c: {  	_ =	strace s4  }
0x9d: {  	_ =	strace $0x8FFFFFFF  }
0x9e: {  	s19 =	sld [smem:$0x3FDB];
	_ =	sdelay $0x1  }
0x9f: {  	s20 =	simm.s32 $_scs_section_size  }
0xa0: {  	s6 =	simm.s32 $_size__tile_overlayer_lowered;
	s7 =	simm.s32 $_tile_overlayer_lowered  }
0xa1: {  	s23 =	simm.s32 $0x1BFF;
	s22 =	sshll.u32 s7, $0x1;
	s4 =	sadd.s32 s20, s19  }
0xa2: {  	s8 =	simm.s32 $0x0;
	s21 =	sshll.u32 s6, $0x1;
	s6 =	sadd.s32 s22, s4  }
0xa3: {  	[timem:s8], [sflag:s23] =	dma.local [hbm:s6], s21  }
0xa4: {  	_ =	swait.ge [sflag:s23], s21  }
0xa5: {  	s5 =	ssub.s32 $0x0, s21;
	[sflag:s23] =	ssyncset.done $0x0  }
0xa6: {  	[sflag:s23] =	ssyncadd.s32 s5;
	_ =	sdelay $0x1  }
0xa7: {  	s24 =	simm.s32 $0x1B8B  }
0xa8: {  	_ =	swait.ge [sflag:s24], $0x1  }
0xa9: {  	[sflag:s24] =	ssyncset.done $0x0  }
0xaa: {  	s25 =	simm.s32 $0x1B8E;
	[sflag:s24] =	ssyncadd.s32 $0xFFFFFFFF  }
0xab: {  	s26 =	simm.s32 $execute0_lowered;
	[smem:$0x3FD2] =	sst s25  }
0xac: {  	s5 =	sshll.u32 s26, $0x1;
	_ =	strace $0x80000046;
	[dreg:$0x1] =	wrdreg $0xFFFFFFFF  }
0xad: {  	s28 =	simm.s32 $_size_execute0_lowered;
	s4 =	sadd.s32 s4, s5;
	[dreg:$0x0] =	wrdreg $0x0  }
0xae: {  	s5 =	sshll.u32 s28, $0x1;
	[dreg:$0x2] =	wrdreg s4  }
0xaf: {  	[dreg:$0x3] =	wrdreg s5  }
0xb0: {  	[dreg:$0x4] =	wrdreg $0xC0  }
0xb1: {  	_ =	task [dreg:s8], $0x5FFFF  }
0xb2: {  	[dreg:$0x1] =	wrdreg $0xFFFFFFFF  }
0xb3: {  	[dreg:$0x0] =	wrdreg $0x60  }
0xb4: {  	[dreg:$0x2] =	wrdreg s16  }
0xb5: {  	[dreg:$0x3] =	wrdreg s17  }
0xb6: {  	[dreg:$0x4] =	wrdreg $0x9  }
0xb7: {  	_ =	task.clear_ibuf [dreg:s8], $0x5FFFF;
	_ =	strace $0x90000046  }
0xb8: {  	s29 =	simm.s32 $0x9;
	_ =	strace $0x80000048  }
0xb9: {  	_ =	swait.ge [sflag:s29], $0x1  }
0xba: {  	[sflag:s29] =	ssyncadd.s32 $0xFFFFFFFF  }
0xbb: {  	_ =	strace $0x90000048  }
0xbc: {  	_ =	sfence  }
0xbd: {  	s30 =	sld [smem:$0x0];
	_ =	sdelay $0x2  }
0xbe: {  	s31 =	sshll.u32 s1, $0xD;
	s1 =	sshrl.u32 s1, $0x2  }
0xbf: {  	s3 =	sand.u32 $0x4000, s31;
	s1 =	sadd.s32 s1, s30  }
0xc0: {  	s0 =	sor.u32 s3, s0;
	s1 =	sshll.u32 s1, $0x11  }
0xc1: {  	s0 =	sor.u32 s1, s0  }
0xc2: {  	s0 =	sadd.s32 $0x8F2B, s0  }
0xc3: {  	[sflag:s0] =	ssyncadd.remote.s32 $0x1  }
0xc4: {  	_ =	sfence.sel $0xFFFF  }
0xc5: {  	[dreg:$0x0] =	wrdreg $0xFFFFFFFF;
	(pc) =	sbr.abs _section_cstart, $3  }
0xc6: {  	[dreg:$0x1] =	wrdreg $0xFFFFFFFF  }
0xc7: {  	_ =	task.clear_ibuf [dreg:s8], $0x2FFFF;
	_ =	strace $0x9FFFFFFF  }
0xc8: {  	(tm) =	ssettm $0x7FFFFFFF  }
0xc9: {  	_ =	shalt  }
tec
execute0_lowered:
.L_overlay_start_1:
0x0: {  	(tag) =	ssettag $0x1  }
0x1: {  	s3 =	rddreg [dreg:$0x0]  }
0x2: {  	s1 =	srdreg.scid;
	s0 =	stileid.u32  }
0x3: {  	s5 =	rddreg [dreg:$0x1];
	s4 =	sand.u32 $0x1, s1;
	s6 =	sshll.u32 s0, $0x1  }
0x4: {  	s2 =	simm.s32 $0x0;
	s6 =	sor.u32 s4, s6;
	s7 =	ssub.s32 $0x2, s4  }
0x5: {  	[smem:$0x7FF] =	sst s2;
	s6 =	smul.u32 $0x1800, s6;
	s8 =	sshrl.u32 s7, $0x1  }
0x6: {  	s1 =	rddreg [dreg:$0x2];
	_ =	strace $0x80000047;
	s7 =	ssub.s32 s7, s8  }
0x7: {  	s4 =	sadd.s32 s3, s6;
	s3 =	simm.s32 $0x1;
	s31 =	smax.u32 s7, $0x1  }
0x8: {  	[tilespmem:s2], [sflag:$0x1] =	stream.linear.gather [hbm4b:s4+s2], $0xC000, $0x38;
	[tilespmem:$0xC000] =	vst v63  }
0x9: {  	p0 =	sne.s32 s31, $0x1;
	_ =	swait.ge [sflag:s3], $0xC000  }
.Ltmp0:
0xa: {  	[sflag:s3] =	ssyncset.done $0x0;
	(pc) =	sbr.rel @!p0 .LBB2_2-.Ltmp0, $4  }
0xb: {  	s5 =	sadd.s32 s5, s6;
	[sflag:s3] =	ssyncadd.s32 $0xFFFF4000  }
0xc: {  	[hbm4b:s5+s2] =	stream.linear.scatter [tilespmem:s2], [sflag:$0x1], $0xC000, $0x38;
	[tilespmem:$0xC000] =	vst v63  }
0xd: {  	_ =	swait.ge [sflag:s3], $0xC000  }
0xe: {  	s6 =	sadd.s32 $0xFFFFFFFF, s31;
	[sflag:s3] =	ssyncset.done $0x0  }
.LBB2_1:
0xf: {  	p0 =	sne.s32 s6, $0x1;
	s6 =	sadd.s32 $0xFFFFFFFF, s6;
	[sflag:s3] =	ssyncadd.s32 $0xFFFF4000  }
0x10: {  	[tilespmem:s2], [sflag:$0x1] =	stream.linear.gather [hbm4b:s4+s2], $0xC000, $0x38;
	[tilespmem:$0xC000] =	vst v63  }
0x11: {  	_ =	swait.ge [sflag:s3], $0xC000  }
.Ltmp1:
0x12: {  	[sflag:s3] =	ssyncset.done $0x0;
	(pc) =	sbr.rel @p0 .LBB2_1-.Ltmp1, $4  }
0x13: {  	[sflag:s3] =	ssyncadd.s32 $0xFFFF4000  }
0x14: {  	[hbm4b:s5+s2] =	stream.linear.scatter [tilespmem:s2], [sflag:$0x1], $0xC000, $0x38;
	[tilespmem:$0xC000] =	vst v63  }
0x15: {  	_ =	swait.ge [sflag:s3], $0xC000  }
0x16: {  	[sflag:s3] =	ssyncset.done $0x0  }
.LBB2_2:
0x17: {  	[sflag:s3] =	ssyncadd.s32 $0xFFFF4000  }
0x18: {  	_ =	sfence.sel $0x180000  }
0x19: {  	[bflag:$0x0] =	sbarrier.arrive $0xFFFF  }
0x1a: {  	p0 =	sne.s32 s0, $0x0;
	_ =	strace $0x90000047  }
0x1b: {  	s0 =	sadd.s32 @!p0 $0x100000, s1;
	[bflag:$0x2] =	sbarrier.arrive $0xFFFF  }
0x1c: {  	[sflag:s0] =	ssyncadd.tile.s32 @!p0 $0x1;
	_ =	shalt  }
.Lfunc_end2:
_tile_overlayer_lowered:
.L_overlay_start_2:
0x1d: {  	(tag) =	ssettag $0x2  }
0x1e: {  	s0 =	rddreg [dreg:$0x0];
	s2 =	stileid.u32  }
0x1f: {  	s1 =	rddreg [dreg:$0x1];
	p0 =	sne.s32 s2, $0x0  }
0x20: {  	s3 =	rddreg [dreg:$0x2];
	[bflag:$0x3] =	sbarrier.arrive $0xFFFF;
	s2 =	simm.s32 @!p0 $0x1C01  }
0x21: {  	[timem:s3], [sflag:s2] =	dma.local @!p0 [hbm:s0], s1  }
0x22: {  	s0 =	simm.s32 @!p0 $0x1  }
0x23: {  	_ =	swait.ge @!p0 [sflag:s0], s1  }
0x24: {  	s1 =	ssub.s32 @!p0 $0x0, s1;
	[sflag:s0] =	ssyncset.done @!p0 $0x0  }
0x25: {  	[sflag:s0] =	ssyncadd.s32 @!p0 s1  }
0x26: {  	[bflag:$0x3] =	sbarrier.arrive $0xFFFF  }
0x27: {  	_ =	shalt  }

</sc_bundles>
